<compile_context>
chip_gen: v7x
topology: tpu7x:2x2x1
jax: 0.10.2.dev20260603
libtpu: 0.0.44.dev20260713+nightly
codegen_flags: <defaults>
</compile_context>

<pallas_src>
import jax
import jax.numpy as jnp
from jax import lax
from jax.experimental import pallas as pl
from jax.experimental.pallas import tpu as pltpu
from jax.experimental.pallas import tpu_sc as plsc

N_NODES = 10000
D_FEAT = 128
N_EDGES = 320000

NC = 2
NS = 16
NW = NC * NS
EPW = N_EDGES // NW
K = 96
NCHUNK = EPW // K
KT = EPW - NCHUNK * K
RPT = (N_NODES // NS) // 8 * 8
TAIL = N_NODES - NS * RPT
CW = 16


def _sc_body(x_hbm, edge_hbm, psum_hbm, pcnt_hbm,
             acc, cnt, rows0, rows1, rows2,
             ridx0, ridx1, ridx2, cidx0, cidx1, cidx2,
             cidx2nd0, cidx2nd1, cidx2nd2, ones_v, z16,
             gsem0, gsem1, gsem2, rsem0, rsem1, rsem2,
             csem0, csem1, csem2, ksem0, ksem1, ksem2):
    cid = lax.axis_index("c")
    sid = lax.axis_index("s")
    wid = sid * NC + cid
    ebase = wid * EPW

    rows = (rows0, rows1, rows2)
    ridx = (ridx0, ridx1, ridx2)
    cidx = (cidx0, cidx1, cidx2)
    cidx2nd = (cidx2nd0, cidx2nd1, cidx2nd2)
    gsem = (gsem0, gsem1, gsem2)
    rsem = (rsem0, rsem1, rsem2)
    csem = (csem0, csem1, csem2)
    ksem = (ksem0, ksem1, ksem2)

    def slab(c):
        return pl.ds(pl.multiple_of(ebase + c * K, 8), K)

    def issue_ridx(c, s):
        pltpu.async_copy(edge_hbm.at[0, slab(c)], ridx[s], rsem[s])

    def wait_ridx(c, s):
        pltpu.make_async_copy(edge_hbm.at[0, slab(c)], ridx[s], rsem[s]).wait()

    def issue_cidx(c, s):
        pltpu.async_copy(edge_hbm.at[1, slab(c)], cidx[s], ksem[s])

    def wait_cidx(c, s):
        pltpu.make_async_copy(edge_hbm.at[1, slab(c)], cidx[s], ksem[s]).wait()

    def issue_gather(s):
        pltpu.async_copy(x_hbm.at[ridx[s]], rows[s], gsem[s])

    def wait_gather(s):
        pltpu.make_async_copy(x_hbm.at[ridx[s]], rows[s], gsem[s]).wait()

    def wait_cnt(s):
        pltpu.make_async_copy(ones_v, cnt.at[cidx2nd[s]], csem[s]).wait()

    def do_cnt(s):
        for j in range(K // 16):
            cidx2nd[s][pl.ds(j * 16, 16)] = cidx[s][pl.ds(j * 16, 16)]
        pltpu.async_copy(ones_v, cnt.at[cidx2nd[s]], csem[s], add=True)

    issue_cidx(0, 0)
    issue_cidx(1, 1)
    issue_ridx(0, 0)
    issue_ridx(1, 1)
    issue_ridx(2, 2)

    zero16 = jnp.zeros((16,), jnp.float32)
    one0 = jnp.where(lax.iota(jnp.int32, 16) == 0, 1.0, 0.0).astype(jnp.float32)

    def zrow(i, c):
        for j in range(D_FEAT // 16):
            rows0[i, pl.ds(j * 16, 16)] = zero16
        return c
    lax.fori_loop(0, K, zrow, 0)

    def zcrow(i, c):
        z16[i, :] = zero16
        ones_v[i, :] = one0
        return c
    lax.fori_loop(0, K, zcrow, 0)

    nbase = sid * RPT

    def zero_rows(base, total):
        off = 0
        while off < total:
            n = min(K, total - off)
            pltpu.sync_copy(rows0.at[pl.ds(0, n)], acc.at[pl.ds(base + off, n)])
            pltpu.sync_copy(z16.at[pl.ds(0, n)], cnt.at[pl.ds(base + off, n)])
            off += n

    zero_rows(nbase, RPT)

    @pl.when(sid == NS - 1)
    def _():
        zero_rows(NS * RPT, TAIL)

    wait_ridx(0, 0)
    issue_gather(0)
    wait_ridx(1, 1)
    issue_gather(1)
    plsc.subcore_barrier()

    def phase(i, c, p):
        s0 = p % 3
        s1 = (p + 1) % 3
        s2 = (p + 2) % 3
        issue_cidx(c + 2, s2)
        wait_cidx(c, s0)
        wait_ridx(c + 2, s2)
        issue_gather(s2)
        wait_gather(s0)
        if p == 2:
            @pl.when(i < (NCHUNK - 5) // 3)
            def _():
                issue_ridx(c + 3, s0)
        else:
            issue_ridx(c + 3, s0)
        pltpu.sync_copy(rows[s0], acc.at[cidx[s0]], add=True)

        @pl.when(i > 0)
        def _():
            wait_cnt(s0)
        do_cnt(s0)

    def body(i, carry):
        phase(i, 3 * i, 0)
        phase(i, 3 * i + 1, 1)
        phase(i, 3 * i + 2, 2)
        return carry
    lax.fori_loop(0, (NCHUNK - 2) // 3, body, 0)

    for c in (NCHUNK - 2, NCHUNK - 1):
        s0 = c % 3
        wait_cidx(c, s0)
        wait_gather(s0)
        pltpu.sync_copy(rows[s0], acc.at[cidx[s0]], add=True)
        wait_cnt(s0)
        do_cnt(s0)

    for c in (NCHUNK - 3, NCHUNK - 2, NCHUNK - 1):
        wait_cnt(c % 3)

    def ztail(i, c):
        for j in range(D_FEAT // 16):
            rows0[i, pl.ds(j * 16, 16)] = zero16
        ones_v[i, :] = zero16
        return c
    lax.fori_loop(KT, K, ztail, 0)
    tslab = pl.ds(pl.multiple_of(ebase + NCHUNK * K, 8), KT)
    pltpu.sync_copy(edge_hbm.at[0, tslab], ridx0.at[pl.ds(0, KT)])
    pltpu.sync_copy(edge_hbm.at[1, tslab], cidx0.at[pl.ds(0, KT)])
    cidx2nd0[pl.ds(0, KT)] = cidx0[pl.ds(0, KT)]
    pltpu.async_copy(x_hbm.at[ridx0.at[pl.ds(0, KT)]],
                     rows0.at[pl.ds(0, KT)], gsem0).wait()
    pltpu.sync_copy(rows0, acc.at[cidx2nd0], add=True)
    pltpu.sync_copy(ones_v, cnt.at[cidx2nd0], add=True)

    plsc.subcore_barrier()

    pltpu.sync_copy(acc.at[pl.ds(nbase, RPT)], psum_hbm.at[cid, pl.ds(nbase, RPT)])
    pltpu.sync_copy(cnt.at[pl.ds(nbase, RPT)],
                    pcnt_hbm.at[cid, pl.ds(nbase, RPT), pl.ds(0, CW)])

    @pl.when(sid == NS - 1)
    def _():
        base = NS * RPT
        pltpu.sync_copy(acc.at[pl.ds(base, TAIL)], psum_hbm.at[cid, pl.ds(base, TAIL)])
        pltpu.sync_copy(cnt.at[pl.ds(base, TAIL)],
                        pcnt_hbm.at[cid, pl.ds(base, TAIL), pl.ds(0, CW)])


@jax.jit
def _aggregate(x, edges):
    mesh = plsc.VectorSubcoreMesh(core_axis_name="c", subcore_axis_name="s")
    f = pl.kernel(
        _sc_body,
        out_type=[
            jax.ShapeDtypeStruct((NC, N_NODES, D_FEAT), jnp.float32),
            jax.ShapeDtypeStruct((NC, N_NODES, 128), jnp.float32),
        ],
        mesh=mesh,
        scratch_types=[
            pltpu.VMEM_SHARED((N_NODES, D_FEAT), jnp.float32),
            pltpu.VMEM_SHARED((N_NODES, CW), jnp.float32),
            pltpu.VMEM((K, D_FEAT), jnp.float32),
            pltpu.VMEM((K, D_FEAT), jnp.float32),
            pltpu.VMEM((K, D_FEAT), jnp.float32),
            pltpu.VMEM((K,), jnp.int32),
            pltpu.VMEM((K,), jnp.int32),
            pltpu.VMEM((K,), jnp.int32),
            pltpu.VMEM((K,), jnp.int32),
            pltpu.VMEM((K,), jnp.int32),
            pltpu.VMEM((K,), jnp.int32),
            pltpu.VMEM((K,), jnp.int32),
            pltpu.VMEM((K,), jnp.int32),
            pltpu.VMEM((K,), jnp.int32),
            pltpu.VMEM((K, CW), jnp.float32),
            pltpu.VMEM((K, CW), jnp.float32),
        ] + [pltpu.SemaphoreType.DMA] * 12,
        compiler_params=pltpu.CompilerParams(use_tc_tiling_on_sc=False),
    )
    return f(x, edges)


def _dense_body(x_ref, p_ref, c_ref, w_ref, b_ref, o_ref):
    cntv = c_ref[0, :, :CW] + c_ref[1, :, :CW]
    cnt = jnp.sum(cntv, axis=1, keepdims=True)
    cnt = jnp.where(cnt == 0.0, 1.0, cnt)
    neigh = (p_ref[0] + p_ref[1]) / cnt
    w = w_ref[...]
    dn = (((1,), (1,)), ((), ()))
    acc = lax.dot_general(x_ref[...], w[:, :D_FEAT], dn,
                          preferred_element_type=jnp.float32)
    acc = acc + lax.dot_general(neigh, w[:, D_FEAT:], dn,
                                preferred_element_type=jnp.float32)
    o_ref[...] = jnp.maximum(acc + b_ref[...], 0.0)


@jax.jit
def _dense(x, psum, pcnt, W, b2):
    BM = 2000
    grid = (N_NODES // BM,)
    return pl.pallas_call(
        _dense_body,
        grid=grid,
        in_specs=[
            pl.BlockSpec((BM, D_FEAT), lambda i: (i, 0)),
            pl.BlockSpec((NC, BM, D_FEAT), lambda i: (0, i, 0)),
            pl.BlockSpec((NC, BM, 128), lambda i: (0, i, 0)),
            pl.BlockSpec((D_FEAT, 2 * D_FEAT), lambda i: (0, 0)),
            pl.BlockSpec((1, D_FEAT), lambda i: (0, 0)),
        ],
        out_specs=pl.BlockSpec((BM, D_FEAT), lambda i: (i, 0)),
        out_shape=jax.ShapeDtypeStruct((N_NODES, D_FEAT), jnp.float32),
    )(x, psum, pcnt, W, b2)


def kernel(x, edge_index, W, b):
    edges = edge_index.astype(jnp.int32)
    psum, pcnt = _aggregate(x, edges)
    return _dense(x, psum, pcnt, W, b.reshape(1, -1))

# --- scband reference (transcript-rebuilt; emitter-appended) ---
"""Pipeline reference for scband-graph-sagelayer-32298154066116 (READ-ONLY COPY).

The authoritative reference and input builder live on the scoring server;
editing this copy changes nothing except your own understanding.
"""

import jax, jax.numpy as jnp
import numpy as np

N_NODES = 10000
D_FEAT = 128
D_OUT = 128
N_EDGES = 320000


def setup_inputs(seed: int = 0) -> dict:
    key = jax.random.key(seed)
    k1, k2, k3, k4 = jax.random.split(key, 4)
    x = jax.random.normal(k1, (N_NODES, D_FEAT), dtype=jnp.float32)
    edge_index = jax.random.randint(k2, (2, N_EDGES), 0, N_NODES, dtype=jnp.int64)
    # nn.Linear(in_dim*2, out_dim): weight [out, in], bias [out]
    W = jax.random.normal(k3, (D_OUT, D_FEAT * 2), dtype=jnp.float32) * (1.0 / np.sqrt(D_FEAT * 2))
    b = jax.random.normal(k4, (D_OUT,), dtype=jnp.float32) * 0.01
    return {"x": x, "edge_index": edge_index, "W": W, "b": b}


def reference(x, edge_index, W, b):
    n = x.shape[0]
    row = edge_index[0]
    col = edge_index[1]
    # scatter-add mean aggregation of neighbor features into dst nodes
    neigh = jnp.zeros_like(x).at[col].add(x[row])
    count = jnp.zeros((n,), dtype=jnp.float32).at[col].add(1.0)
    count = jnp.where(count == 0.0, 1.0, count)
    neigh = neigh / count[:, None]
    x_aggr = jnp.concatenate([x, neigh], axis=-1)
    out = x_aggr @ W.T + b
    out = jax.nn.relu(out)
    # dropout p=0.0 -> identity
    return out

if __name__ == "__main__":
    import jax
    _d = setup_inputs()
    print(jax.jit(kernel)(*tuple(_d.values())))

</pallas_src>

<mosaic_0001>
#map = affine_map<(d0, d1) -> (0, 0)>
#map1 = affine_map<(d0, d1) -> (0, 0, 0)>
module attributes {stable_mosaic.version = 14 : i64} {
  func.func @_sc_body(%arg0: i32, %arg1: i32, %arg2: memref<10000x128xf32, #tpu.memory_space<hbm>>, %arg3: memref<2x320000xi32, #tpu.memory_space<hbm>>, %arg4: memref<2x10000x128xf32, #tpu.memory_space<hbm>>, %arg5: memref<2x10000x128xf32, #tpu.memory_space<hbm>>, %arg6: memref<10000x128xf32, #tpu.memory_space<vmem_shared>>, %arg7: memref<10000x16xf32, #tpu.memory_space<vmem_shared>>, %arg8: memref<96x128xf32, #tpu.memory_space<vmem>>, %arg9: memref<96x128xf32, #tpu.memory_space<vmem>>, %arg10: memref<96x128xf32, #tpu.memory_space<vmem>>, %arg11: memref<96xi32, #tpu.memory_space<vmem>>, %arg12: memref<96xi32, #tpu.memory_space<vmem>>, %arg13: memref<96xi32, #tpu.memory_space<vmem>>, %arg14: memref<96xi32, #tpu.memory_space<vmem>>, %arg15: memref<96xi32, #tpu.memory_space<vmem>>, %arg16: memref<96xi32, #tpu.memory_space<vmem>>, %arg17: memref<96xi32, #tpu.memory_space<vmem>>, %arg18: memref<96xi32, #tpu.memory_space<vmem>>, %arg19: memref<96xi32, #tpu.memory_space<vmem>>, %arg20: memref<96x16xf32, #tpu.memory_space<vmem>>, %arg21: memref<96x16xf32, #tpu.memory_space<vmem>>, %arg22: memref<!tpu.dma_semaphore, #tpu.memory_space<semaphore_mem>>, %arg23: memref<!tpu.dma_semaphore, #tpu.memory_space<semaphore_mem>>, %arg24: memref<!tpu.dma_semaphore, #tpu.memory_space<semaphore_mem>>, %arg25: memref<!tpu.dma_semaphore, #tpu.memory_space<semaphore_mem>>, %arg26: memref<!tpu.dma_semaphore, #tpu.memory_space<semaphore_mem>>, %arg27: memref<!tpu.dma_semaphore, #tpu.memory_space<semaphore_mem>>, %arg28: memref<!tpu.dma_semaphore, #tpu.memory_space<semaphore_mem>>, %arg29: memref<!tpu.dma_semaphore, #tpu.memory_space<semaphore_mem>>, %arg30: memref<!tpu.dma_semaphore, #tpu.memory_space<semaphore_mem>>, %arg31: memref<!tpu.dma_semaphore, #tpu.memory_space<semaphore_mem>>, %arg32: memref<!tpu.dma_semaphore, #tpu.memory_space<semaphore_mem>>, %arg33: memref<!tpu.dma_semaphore, #tpu.memory_space<semaphore_mem>>) attributes {dimension_semantics = [#tpu.dimension_semantics<core_parallel>, #tpu.dimension_semantics<subcore_parallel>], iteration_bounds = array<i64: 2, 16>, scalar_prefetch = 0 : i64, scratch_operands = 28 : i64, tpu.core_type = #tpu.core_type<sc_vector_subcore>, window_params = [{transform_indices = #map}, {transform_indices = #map}, {transform_indices = #map1}, {transform_indices = #map1}]} {
    %mul3A = arith.constant 2 : i32
    %mul3A_0 = arith.muli %arg1, %mul3A : i32
    %add3A = arith.addi %mul3A_0, %arg0 : i32
    %mul3A_1 = arith.constant 10000 : i32
    %mul3A_2 = arith.muli %add3A, %mul3A_1 : i32
    %add3A_3 = arith.constant 0 : i32
    %add3A_4 = arith.addi %mul3A_2, %add3A_3 : i32
    %multiple_of3A = tpu.assume_multiple %add3A_4, 8 : i32
    %dma_start3A = arith.constant 1 : i32
    %dma_start3A_5 = tpu.memref_slice %arg3[%dma_start3A, %multiple_of3A] : memref<2x320000xi32, #tpu.memory_space<hbm>> -> memref<1x96xi32, #tpu.memory_space<hbm>>
    %dma_start3A_6 = tpu.memref_squeeze %dma_start3A_5 : memref<1x96xi32, #tpu.memory_space<hbm>> -> memref<96xi32, #tpu.memory_space<hbm>>
    %dma_start3A_7 = tpu.memref_slice %arg3[%dma_start3A, %multiple_of3A] : memref<2x320000xi32, #tpu.memory_space<hbm>> -> memref<1x96xi32, #tpu.memory_space<hbm>>
    %dma_start3A_8 = tpu.memref_squeeze %dma_start3A_7 : memref<1x96xi32, #tpu.memory_space<hbm>> -> memref<96xi32, #tpu.memory_space<hbm>>
    tpu.enqueue_dma source(%dma_start3A_8 : memref<96xi32, #tpu.memory_space<hbm>>) target(%arg14 : memref<96xi32, #tpu.memory_space<vmem>>) target_semaphore(%arg31 : memref<!tpu.dma_semaphore, #tpu.memory_space<semaphore_mem>>)
    %add3A_9 = arith.constant 96 : i32
    %add3A_10 = arith.addi %mul3A_2, %add3A_9 : i32
    %multiple_of3A_11 = tpu.assume_multiple %add3A_10, 8 : i32
    %dma_start3A_12 = arith.constant 1 : i32
    %dma_start3A_13 = tpu.memref_slice %arg3[%dma_start3A_12, %multiple_of3A_11] : memref<2x320000xi32, #tpu.memory_space<hbm>> -> memref<1x96xi32, #tpu.memory_space<hbm>>
    %dma_start3A_14 = tpu.memref_squeeze %dma_start3A_13 : memref<1x96xi32, #tpu.memory_space<hbm>> -> memref<96xi32, #tpu.memory_space<hbm>>
    %dma_start3A_15 = tpu.memref_slice %arg3[%dma_start3A_12, %multiple_of3A_11] : memref<2x320000xi32, #tpu.memory_space<hbm>> -> memref<1x96xi32, #tpu.memory_space<hbm>>
    %dma_start3A_16 = tpu.memref_squeeze %dma_start3A_15 : memref<1x96xi32, #tpu.memory_space<hbm>> -> memref<96xi32, #tpu.memory_space<hbm>>
    tpu.enqueue_dma source(%dma_start3A_16 : memref<96xi32, #tpu.memory_space<hbm>>) target(%arg15 : memref<96xi32, #tpu.memory_space<vmem>>) target_semaphore(%arg32 : memref<!tpu.dma_semaphore, #tpu.memory_space<semaphore_mem>>)
    %add3A_17 = arith.constant 0 : i32
    %add3A_18 = arith.addi %mul3A_2, %add3A_17 : i32
    %multiple_of3A_19 = tpu.assume_multiple %add3A_18, 8 : i32
    %dma_start3A_20 = arith.constant 0 : i32
    %dma_start3A_21 = tpu.memref_slice %arg3[%dma_start3A_20, %multiple_of3A_19] : memref<2x320000xi32, #tpu.memory_space<hbm>> -> memref<1x96xi32, #tpu.memory_space<hbm>>
    %dma_start3A_22 = tpu.memref_squeeze %dma_start3A_21 : memref<1x96xi32, #tpu.memory_space<hbm>> -> memref<96xi32, #tpu.memory_space<hbm>>
    %dma_start3A_23 = tpu.memref_slice %arg3[%dma_start3A_20, %multiple_of3A_19] : memref<2x320000xi32, #tpu.memory_space<hbm>> -> memref<1x96xi32, #tpu.memory_space<hbm>>
    %dma_start3A_24 = tpu.memref_squeeze %dma_start3A_23 : memref<1x96xi32, #tpu.memory_space<hbm>> -> memref<96xi32, #tpu.memory_space<hbm>>
    tpu.enqueue_dma source(%dma_start3A_24 : memref<96xi32, #tpu.memory_space<hbm>>) target(%arg11 : memref<96xi32, #tpu.memory_space<vmem>>) target_semaphore(%arg25 : memref<!tpu.dma_semaphore, #tpu.memory_space<semaphore_mem>>)
    %add3A_25 = arith.constant 96 : i32
    %add3A_26 = arith.addi %mul3A_2, %add3A_25 : i32
    %multiple_of3A_27 = tpu.assume_multiple %add3A_26, 8 : i32
    %dma_start3A_28 = arith.constant 0 : i32
    %dma_start3A_29 = tpu.memref_slice %arg3[%dma_start3A_28, %multiple_of3A_27] : memref<2x320000xi32, #tpu.memory_space<hbm>> -> memref<1x96xi32, #tpu.memory_space<hbm>>
    %dma_start3A_30 = tpu.memref_squeeze %dma_start3A_29 : memref<1x96xi32, #tpu.memory_space<hbm>> -> memref<96xi32, #tpu.memory_space<hbm>>
    %dma_start3A_31 = tpu.memref_slice %arg3[%dma_start3A_28, %multiple_of3A_27] : memref<2x320000xi32, #tpu.memory_space<hbm>> -> memref<1x96xi32, #tpu.memory_space<hbm>>
    %dma_start3A_32 = tpu.memref_squeeze %dma_start3A_31 : memref<1x96xi32, #tpu.memory_space<hbm>> -> memref<96xi32, #tpu.memory_space<hbm>>
    tpu.enqueue_dma source(%dma_start3A_32 : memref<96xi32, #tpu.memory_space<hbm>>) target(%arg12 : memref<96xi32, #tpu.memory_space<vmem>>) target_semaphore(%arg26 : memref<!tpu.dma_semaphore, #tpu.memory_space<semaphore_mem>>)
    %add3A_33 = arith.constant 192 : i32
    %add3A_34 = arith.addi %mul3A_2, %add3A_33 : i32
    %multiple_of3A_35 = tpu.assume_multiple %add3A_34, 8 : i32
    %dma_start3A_36 = arith.constant 0 : i32
    %dma_start3A_37 = tpu.memref_slice %arg3[%dma_start3A_36, %multiple_of3A_35] : memref<2x320000xi32, #tpu.memory_space<hbm>> -> memref<1x96xi32, #tpu.memory_space<hbm>>
    %dma_start3A_38 = tpu.memref_squeeze %dma_start3A_37 : memref<1x96xi32, #tpu.memory_space<hbm>> -> memref<96xi32, #tpu.memory_space<hbm>>
    %dma_start3A_39 = tpu.memref_slice %arg3[%dma_start3A_36, %multiple_of3A_35] : memref<2x320000xi32, #tpu.memory_space<hbm>> -> memref<1x96xi32, #tpu.memory_space<hbm>>
    %dma_start3A_40 = tpu.memref_squeeze %dma_start3A_39 : memref<1x96xi32, #tpu.memory_space<hbm>> -> memref<96xi32, #tpu.memory_space<hbm>>
    tpu.enqueue_dma source(%dma_start3A_40 : memref<96xi32, #tpu.memory_space<hbm>>) target(%arg13 : memref<96xi32, #tpu.memory_space<vmem>>) target_semaphore(%arg27 : memref<!tpu.dma_semaphore, #tpu.memory_space<semaphore_mem>>)
    %broadcast_in_dim3A = arith.constant 0.000000e+00 : f32
    %broadcast_in_dim3A_41 = vector.broadcast %broadcast_in_dim3A : f32 to vector<16xf32>
    %iota3A = tpu.iota {dimensions = array<i32: 0>} : vector<16xi32>
    %eq3A = arith.constant 0 : i32
    %eq3A_42 = vector.broadcast %eq3A : i32 to vector<16xi32>
    %eq3A_43 = arith.cmpi eq, %iota3A, %eq3A_42 : vector<16xi32>
    %jit3A = arith.constant 1.000000e+00 : f32
    %jit3A_44 = arith.constant 0.000000e+00 : f32
    %broadcast_in_dim3A_45 = vector.broadcast %jit3A : f32 to vector<16xf32>
    %broadcast_in_dim3A_46 = vector.broadcast %jit3A_44 : f32 to vector<16xf32>
    %select_n3A = arith.select %eq3A_43, %broadcast_in_dim3A_45, %broadcast_in_dim3A_46 : vector<16xi1>, vector<16xf32>
    %scan3A = arith.constant 0 : i32
    %scan3A_47 = arith.constant 0 : i32
    %scan3A_48 = arith.constant 96 : i32
    %scan3A_49 = arith.addi %scan3A_47, %scan3A_48 : i32
    %scan3A_50 = arith.constant 1 : i32
    scf.for %scan3A_282 = %scan3A_47 to %scan3A_49 step %scan3A_50  : i32 {
      %swap3A_283 = arith.index_cast %scan3A_282 : i32 to index
      %swap3A_284 = arith.constant 0 : index
      %swap3A_285 = tpu.vector_load %arg8[%swap3A_283, %swap3A_284] {strides = array<i32>} : memref<96x128xf32, #tpu.memory_space<vmem>>, vector<1x16xf32>,
      %swap3A_286 = vector.shape_cast %swap3A_285 : vector<1x16xf32> to vector<16xf32>
      %swap3A_287 = vector.shape_cast %broadcast_in_dim3A_41 : vector<16xf32> to vector<1x16xf32>
      tpu.vector_store %arg8[%swap3A_283, %swap3A_284], %swap3A_287 {strides = array<i32>} : memref<96x128xf32, #tpu.memory_space<vmem>>, vector<1x16xf32>,
      %swap3A_288 = arith.index_cast %scan3A_282 : i32 to index
      %swap3A_289 = arith.constant 16 : index
      %swap3A_290 = tpu.vector_load %arg8[%swap3A_288, %swap3A_289] {strides = array<i32>} : memref<96x128xf32, #tpu.memory_space<vmem>>, vector<1x16xf32>,
      %swap3A_291 = vector.shape_cast %swap3A_290 : vector<1x16xf32> to vector<16xf32>
      %swap3A_292 = vector.shape_cast %broadcast_in_dim3A_41 : vector<16xf32> to vector<1x16xf32>
      tpu.vector_store %arg8[%swap3A_288, %swap3A_289], %swap3A_292 {strides = array<i32>} : memref<96x128xf32, #tpu.memory_space<vmem>>, vector<1x16xf32>,
      %swap3A_293 = arith.index_cast %scan3A_282 : i32 to index
      %swap3A_294 = arith.constant 32 : index
      %swap3A_295 = tpu.vector_load %arg8[%swap3A_293, %swap3A_294] {strides = array<i32>} : memref<96x128xf32, #tpu.memory_space<vmem>>, vector<1x16xf32>,
      %swap3A_296 = vector.shape_cast %swap3A_295 : vector<1x16xf32> to vector<16xf32>
      %swap3A_297 = vector.shape_cast %broadcast_in_dim3A_41 : vector<16xf32> to vector<1x16xf32>
      tpu.vector_store %arg8[%swap3A_293, %swap3A_294], %swap3A_297 {strides = array<i32>} : memref<96x128xf32, #tpu.memory_space<vmem>>, vector<1x16xf32>,
      %swap3A_298 = arith.index_cast %scan3A_282 : i32 to index
      %swap3A_299 = arith.constant 48 : index
      %swap3A_300 = tpu.vector_load %arg8[%swap3A_298, %swap3A_299] {strides = array<i32>} : memref<96x128xf32, #tpu.memory_space<vmem>>, vector<1x16xf32>,
      %swap3A_301 = vector.shape_cast %swap3A_300 : vector<1x16xf32> to vector<16xf32>
      %swap3A_302 = vector.shape_cast %broadcast_in_dim3A_41 : vector<16xf32> to vector<1x16xf32>
      tpu.vector_store %arg8[%swap3A_298, %swap3A_299], %swap3A_302 {strides = array<i32>} : memref<96x128xf32, #tpu.memory_space<vmem>>, vector<1x16xf32>,
      %swap3A_303 = arith.index_cast %scan3A_282 : i32 to index
      %swap3A_304 = arith.constant 64 : index
      %swap3A_305 = tpu.vector_load %arg8[%swap3A_303, %swap3A_304] {strides = array<i32>} : memref<96x128xf32, #tpu.memory_space<vmem>>, vector<1x16xf32>,
      %swap3A_306 = vector.shape_cast %swap3A_305 : vector<1x16xf32> to vector<16xf32>
      %swap3A_307 = vector.shape_cast %broadcast_in_dim3A_41 : vector<16xf32> to vector<1x16xf32>
      tpu.vector_store %arg8[%swap3A_303, %swap3A_304], %swap3A_307 {strides = array<i32>} : memref<96x128xf32, #tpu.memory_space<vmem>>, vector<1x16xf32>,
      %swap3A_308 = arith.index_cast %scan3A_282 : i32 to index
      %swap3A_309 = arith.constant 80 : index
      %swap3A_310 = tpu.vector_load %arg8[%swap3A_308, %swap3A_309] {strides = array<i32>} : memref<96x128xf32, #tpu.memory_space<vmem>>, vector<1x16xf32>,
      %swap3A_311 = vector.shape_cast %swap3A_310 : vector<1x16xf32> to vector<16xf32>
      %swap3A_312 = vector.shape_cast %broadcast_in_dim3A_41 : vector<16xf32> to vector<1x16xf32>
      tpu.vector_store %arg8[%swap3A_308, %swap3A_309], %swap3A_312 {strides = array<i32>} : memref<96x128xf32, #tpu.memory_space<vmem>>, vector<1x16xf32>,
      %swap3A_313 = arith.index_cast %scan3A_282 : i32 to index
      %swap3A_314 = arith.constant 96 : index
      %swap3A_315 = tpu.vector_load %arg8[%swap3A_313, %swap3A_314] {strides = array<i32>} : memref<96x128xf32, #tpu.memory_space<vmem>>, vector<1x16xf32>,
      %swap3A_316 = vector.shape_cast %swap3A_315 : vector<1x16xf32> to vector<16xf32>
      %swap3A_317 = vector.shape_cast %broadcast_in_dim3A_41 : vector<16xf32> to vector<1x16xf32>
      tpu.vector_store %arg8[%swap3A_313, %swap3A_314], %swap3A_317 {strides = array<i32>} : memref<96x128xf32, #tpu.memory_space<vmem>>, vector<1x16xf32>,
      %swap3A_318 = arith.index_cast %scan3A_282 : i32 to index
      %swap3A_319 = arith.constant 112 : index
      %swap3A_320 = tpu.vector_load %arg8[%swap3A_318, %swap3A_319] {strides = array<i32>} : memref<96x128xf32, #tpu.memory_space<vmem>>, vector<1x16xf32>,
      %swap3A_321 = vector.shape_cast %swap3A_320 : vector<1x16xf32> to vector<16xf32>
      %swap3A_322 = vector.shape_cast %broadcast_in_dim3A_41 : vector<16xf32> to vector<1x16xf32>
      tpu.vector_store %arg8[%swap3A_318, %swap3A_319], %swap3A_322 {strides = array<i32>} : memref<96x128xf32, #tpu.memory_space<vmem>>, vector<1x16xf32>,
    }
    %scan3A_51 = arith.constant 96 : i32
    %scan3A_52 = arith.constant 0 : i32
    %scan3A_53 = arith.constant 0 : i32
    %scan3A_54 = arith.constant 96 : i32
    %scan3A_55 = arith.addi %scan3A_53, %scan3A_54 : i32
    %scan3A_56 = arith.constant 1 : i32
    scf.for %scan3A_282 = %scan3A_53 to %scan3A_55 step %scan3A_56  : i32 {
      %swap3A_283 = arith.index_cast %scan3A_282 : i32 to index
      %swap3A_284 = arith.constant 0 : index
      %swap3A_285 = tpu.vector_load %arg21[%swap3A_283, %swap3A_284] {strides = array<i32>} : memref<96x16xf32, #tpu.memory_space<vmem>>, vector<1x16xf32>,
      %swap3A_286 = vector.shape_cast %swap3A_285 : vector<1x16xf32> to vector<16xf32>
      %swap3A_287 = vector.shape_cast %broadcast_in_dim3A_41 : vector<16xf32> to vector<1x16xf32>
      tpu.vector_store %arg21[%swap3A_283, %swap3A_284], %swap3A_287 {strides = array<i32>} : memref<96x16xf32, #tpu.memory_space<vmem>>, vector<1x16xf32>,
      %swap3A_288 = arith.index_cast %scan3A_282 : i32 to index
      %swap3A_289 = arith.constant 0 : index
      %swap3A_290 = tpu.vector_load %arg20[%swap3A_288, %swap3A_289] {strides = array<i32>} : memref<96x16xf32, #tpu.memory_space<vmem>>, vector<1x16xf32>,
      %swap3A_291 = vector.shape_cast %swap3A_290 : vector<1x16xf32> to vector<16xf32>
      %swap3A_292 = vector.shape_cast %select_n3A : vector<16xf32> to vector<1x16xf32>
      tpu.vector_store %arg20[%swap3A_288, %swap3A_289], %swap3A_292 {strides = array<i32>} : memref<96x16xf32, #tpu.memory_space<vmem>>, vector<1x16xf32>,
    }
    %scan3A_57 = arith.constant 96 : i32
    %mul3A_58 = arith.constant 624 : i32
    %mul3A_59 = arith.muli %arg1, %mul3A_58 : i32
    %add3A_60 = arith.constant 0 : i32
    %add3A_61 = arith.addi %mul3A_59, %add3A_60 : i32
    "tpu.region"() ({
      %run_scoped3A_282 = tpu.sem_alloc : memref<!tpu.dma_semaphore, #tpu.memory_space<semaphore_mem>>
      %dma_start3A_283 = arith.constant 0 : i32
      %dma_start3A_284 = arith.constant 0 : i32
      %dma_start3A_285 = tpu.memref_slice %arg8[%dma_start3A_283, %dma_start3A_284] : memref<96x128xf32, #tpu.memory_space<vmem>> -> memref<96x128xf32, #tpu.memory_space<vmem>>
      %dma_start3A_286 = arith.constant 0 : i32
      %dma_start3A_287 = tpu.memref_slice %arg6[%add3A_61, %dma_start3A_286] : memref<10000x128xf32, #tpu.memory_space<vmem_shared>> -> memref<96x128xf32, #tpu.memory_space<vmem_shared>>
      %dma_start3A_288 = arith.constant 0 : i32
      %dma_start3A_289 = tpu.memref_slice %arg6[%add3A_61, %dma_start3A_288] : memref<10000x128xf32, #tpu.memory_space<vmem_shared>> -> memref<96x128xf32, #tpu.memory_space<vmem_shared>>
      %dma_start3A_290 = arith.constant 0 : i32
      %dma_start3A_291 = arith.constant 0 : i32
      %dma_start3A_292 = tpu.memref_slice %arg8[%dma_start3A_290, %dma_start3A_291] : memref<96x128xf32, #tpu.memory_space<vmem>> -> memref<96x128xf32, #tpu.memory_space<vmem>>
      tpu.enqueue_dma source(%dma_start3A_292 : memref<96x128xf32, #tpu.memory_space<vmem>>) target(%dma_start3A_289 : memref<96x128xf32, #tpu.memory_space<vmem_shared>>) target_semaphore(%run_scoped3A_282 : memref<!tpu.dma_semaphore, #tpu.memory_space<semaphore_mem>>)
      %dma_wait3A_293 = arith.constant 0 : i32
      %dma_wait3A_294 = arith.constant 0 : i32
      %dma_wait3A_295 = tpu.memref_slice %arg8[%dma_wait3A_293, %dma_wait3A_294] : memref<96x128xf32, #tpu.memory_space<vmem>> -> memref<96x128xf32, #tpu.memory_space<vmem>>
      %dma_wait3A_296 = arith.constant 0 : i32
      %dma_wait3A_297 = tpu.memref_slice %arg6[%add3A_61, %dma_wait3A_296] : memref<10000x128xf32, #tpu.memory_space<vmem_shared>> -> memref<96x128xf32, #tpu.memory_space<vmem_shared>>
      %dma_wait3A_298 = arith.constant 0 : i32
      %dma_wait3A_299 = tpu.memref_slice %arg6[%add3A_61, %dma_wait3A_298] : memref<10000x128xf32, #tpu.memory_space<vmem_shared>> -> memref<96x128xf32, #tpu.memory_space<vmem_shared>>
      %dma_wait3A_300 = arith.constant 0 : i32
      %dma_wait3A_301 = arith.constant 0 : i32
      %dma_wait3A_302 = tpu.memref_slice %arg8[%dma_wait3A_300, %dma_wait3A_301] : memref<96x128xf32, #tpu.memory_space<vmem>> -> memref<96x128xf32, #tpu.memory_space<vmem>>
      tpu.wait_dma2 semaphore(%run_scoped3A_282 : memref<!tpu.dma_semaphore, #tpu.memory_space<semaphore_mem>>) src(%dma_wait3A_302 : memref<96x128xf32, #tpu.memory_space<vmem>>) dst(%dma_wait3A_299 : memref<96x128xf32, #tpu.memory_space<vmem_shared>>)
      tpu.yield
    }) : () -> ()
    %add3A_62 = arith.constant 0 : i32
    %add3A_63 = arith.addi %mul3A_59, %add3A_62 : i32
    "tpu.region"() ({
      %run_scoped3A_282 = tpu.sem_alloc : memref<!tpu.dma_semaphore, #tpu.memory_space<semaphore_mem>>
      %dma_start3A_283 = arith.constant 0 : i32
      %dma_start3A_284 = arith.constant 0 : i32
      %dma_start3A_285 = tpu.memref_slice %arg21[%dma_start3A_283, %dma_start3A_284] : memref<96x16xf32, #tpu.memory_space<vmem>> -> memref<96x16xf32, #tpu.memory_space<vmem>>
      %dma_start3A_286 = arith.constant 0 : i32
      %dma_start3A_287 = tpu.memref_slice %arg7[%add3A_63, %dma_start3A_286] : memref<10000x16xf32, #tpu.memory_space<vmem_shared>> -> memref<96x16xf32, #tpu.memory_space<vmem_shared>>
      %dma_start3A_288 = arith.constant 0 : i32
      %dma_start3A_289 = tpu.memref_slice %arg7[%add3A_63, %dma_start3A_288] : memref<10000x16xf32, #tpu.memory_space<vmem_shared>> -> memref<96x16xf32, #tpu.memory_space<vmem_shared>>
      %dma_start3A_290 = arith.constant 0 : i32
      %dma_start3A_291 = arith.constant 0 : i32
      %dma_start3A_292 = tpu.memref_slice %arg21[%dma_start3A_290, %dma_start3A_291] : memref<96x16xf32, #tpu.memory_space<vmem>> -> memref<96x16xf32, #tpu.memory_space<vmem>>
      tpu.enqueue_dma source(%dma_start3A_292 : memref<96x16xf32, #tpu.memory_space<vmem>>) target(%dma_start3A_289 : memref<96x16xf32, #tpu.memory_space<vmem_shared>>) target_semaphore(%run_scoped3A_282 : memref<!tpu.dma_semaphore, #tpu.memory_space<semaphore_mem>>)
      %dma_wait3A_293 = arith.constant 0 : i32
      %dma_wait3A_294 = arith.constant 0 : i32
      %dma_wait3A_295 = tpu.memref_slice %arg21[%dma_wait3A_293, %dma_wait3A_294] : memref<96x16xf32, #tpu.memory_space<vmem>> -> memref<96x16xf32, #tpu.memory_space<vmem>>
      %dma_wait3A_296 = arith.constant 0 : i32
      %dma_wait3A_297 = tpu.memref_slice %arg7[%add3A_63, %dma_wait3A_296] : memref<10000x16xf32, #tpu.memory_space<vmem_shared>> -> memref<96x16xf32, #tpu.memory_space<vmem_shared>>
      %dma_wait3A_298 = arith.constant 0 : i32
      %dma_wait3A_299 = tpu.memref_slice %arg7[%add3A_63, %dma_wait3A_298] : memref<10000x16xf32, #tpu.memory_space<vmem_shared>> -> memref<96x16xf32, #tpu.memory_space<vmem_shared>>
      %dma_wait3A_300 = arith.constant 0 : i32
      %dma_wait3A_301 = arith.constant 0 : i32
      %dma_wait3A_302 = tpu.memref_slice %arg21[%dma_wait3A_300, %dma_wait3A_301] : memref<96x16xf32, #tpu.memory_space<vmem>> -> memref<96x16xf32, #tpu.memory_space<vmem>>
      tpu.wait_dma2 semaphore(%run_scoped3A_282 : memref<!tpu.dma_semaphore, #tpu.memory_space<semaphore_mem>>) src(%dma_wait3A_302 : memref<96x16xf32, #tpu.memory_space<vmem>>) dst(%dma_wait3A_299 : memref<96x16xf32, #tpu.memory_space<vmem_shared>>)
      tpu.yield
    }) : () -> ()
    %add3A_64 = arith.constant 96 : i32
    %add3A_65 = arith.addi %mul3A_59, %add3A_64 : i32
    "tpu.region"() ({
      %run_scoped3A_282 = tpu.sem_alloc : memref<!tpu.dma_semaphore, #tpu.memory_space<semaphore_mem>>
      %dma_start3A_283 = arith.constant 0 : i32
      %dma_start3A_284 = arith.constant 0 : i32
      %dma_start3A_285 = tpu.memref_slice %arg8[%dma_start3A_283, %dma_start3A_284] : memref<96x128xf32, #tpu.memory_space<vmem>> -> memref<96x128xf32, #tpu.memory_space<vmem>>
      %dma_start3A_286 = arith.constant 0 : i32
      %dma_start3A_287 = tpu.memref_slice %arg6[%add3A_65, %dma_start3A_286] : memref<10000x128xf32, #tpu.memory_space<vmem_shared>> -> memref<96x128xf32, #tpu.memory_space<vmem_shared>>
      %dma_start3A_288 = arith.constant 0 : i32
      %dma_start3A_289 = tpu.memref_slice %arg6[%add3A_65, %dma_start3A_288] : memref<10000x128xf32, #tpu.memory_space<vmem_shared>> -> memref<96x128xf32, #tpu.memory_space<vmem_shared>>
      %dma_start3A_290 = arith.constant 0 : i32
      %dma_start3A_291 = arith.constant 0 : i32
      %dma_start3A_292 = tpu.memref_slice %arg8[%dma_start3A_290, %dma_start3A_291] : memref<96x128xf32, #tpu.memory_space<vmem>> -> memref<96x128xf32, #tpu.memory_space<vmem>>
      tpu.enqueue_dma source(%dma_start3A_292 : memref<96x128xf32, #tpu.memory_space<vmem>>) target(%dma_start3A_289 : memref<96x128xf32, #tpu.memory_space<vmem_shared>>) target_semaphore(%run_scoped3A_282 : memref<!tpu.dma_semaphore, #tpu.memory_space<semaphore_mem>>)
      %dma_wait3A_293 = arith.constant 0 : i32
      %dma_wait3A_294 = arith.constant 0 : i32
      %dma_wait3A_295 = tpu.memref_slice %arg8[%dma_wait3A_293, %dma_wait3A_294] : memref<96x128xf32, #tpu.memory_space<vmem>> -> memref<96x128xf32, #tpu.memory_space<vmem>>
      %dma_wait3A_296 = arith.constant 0 : i32
      %dma_wait3A_297 = tpu.memref_slice %arg6[%add3A_65, %dma_wait3A_296] : memref<10000x128xf32, #tpu.memory_space<vmem_shared>> -> memref<96x128xf32, #tpu.memory_space<vmem_shared>>
      %dma_wait3A_298 = arith.constant 0 : i32
      %dma_wait3A_299 = tpu.memref_slice %arg6[%add3A_65, %dma_wait3A_298] : memref<10000x128xf32, #tpu.memory_space<vmem_shared>> -> memref<96x128xf32, #tpu.memory_space<vmem_shared>>
      %dma_wait3A_300 = arith.constant 0 : i32
      %dma_wait3A_301 = arith.constant 0 : i32
      %dma_wait3A_302 = tpu.memref_slice %arg8[%dma_wait3A_300, %dma_wait3A_301] : memref<96x128xf32, #tpu.memory_space<vmem>> -> memref<96x128xf32, #tpu.memory_space<vmem>>
      tpu.wait_dma2 semaphore(%run_scoped3A_282 : memref<!tpu.dma_semaphore, #tpu.memory_space<semaphore_mem>>) src(%dma_wait3A_302 : memref<96x128xf32, #tpu.memory_space<vmem>>) dst(%dma_wait3A_299 : memref<96x128xf32, #tpu.memory_space<vmem_shared>>)
      tpu.yield
    }) : () -> ()
    %add3A_66 = arith.constant 96 : i32
    %add3A_67 = arith.addi %mul3A_59, %add3A_66 : i32
    "tpu.region"() ({
      %run_scoped3A_282 = tpu.sem_alloc : memref<!tpu.dma_semaphore, #tpu.memory_space<semaphore_mem>>
      %dma_start3A_283 = arith.constant 0 : i32
      %dma_start3A_284 = arith.constant 0 : i32
      %dma_start3A_285 = tpu.memref_slice %arg21[%dma_start3A_283, %dma_start3A_284] : memref<96x16xf32, #tpu.memory_space<vmem>> -> memref<96x16xf32, #tpu.memory_space<vmem>>
      %dma_start3A_286 = arith.constant 0 : i32
      %dma_start3A_287 = tpu.memref_slice %arg7[%add3A_67, %dma_start3A_286] : memref<10000x16xf32, #tpu.memory_space<vmem_shared>> -> memref<96x16xf32, #tpu.memory_space<vmem_shared>>
      %dma_start3A_288 = arith.constant 0 : i32
      %dma_start3A_289 = tpu.memref_slice %arg7[%add3A_67, %dma_start3A_288] : memref<10000x16xf32, #tpu.memory_space<vmem_shared>> -> memref<96x16xf32, #tpu.memory_space<vmem_shared>>
      %dma_start3A_290 = arith.constant 0 : i32
      %dma_start3A_291 = arith.constant 0 : i32
      %dma_start3A_292 = tpu.memref_slice %arg21[%dma_start3A_290, %dma_start3A_291] : memref<96x16xf32, #tpu.memory_space<vmem>> -> memref<96x16xf32, #tpu.memory_space<vmem>>
      tpu.enqueue_dma source(%dma_start3A_292 : memref<96x16xf32, #tpu.memory_space<vmem>>) target(%dma_start3A_289 : memref<96x16xf32, #tpu.memory_space<vmem_shared>>) target_semaphore(%run_scoped3A_282 : memref<!tpu.dma_semaphore, #tpu.memory_space<semaphore_mem>>)
      %dma_wait3A_293 = arith.constant 0 : i32
      %dma_wait3A_294 = arith.constant 0 : i32
      %dma_wait3A_295 = tpu.memref_slice %arg21[%dma_wait3A_293, %dma_wait3A_294] : memref<96x16xf32, #tpu.memory_space<vmem>> -> memref<96x16xf32, #tpu.memory_space<vmem>>
      %dma_wait3A_296 = arith.constant 0 : i32
      %dma_wait3A_297 = tpu.memref_slice %arg7[%add3A_67, %dma_wait3A_296] : memref<10000x16xf32, #tpu.memory_space<vmem_shared>> -> memref<96x16xf32, #tpu.memory_space<vmem_shared>>
      %dma_wait3A_298 = arith.constant 0 : i32
      %dma_wait3A_299 = tpu.memref_slice %arg7[%add3A_67, %dma_wait3A_298] : memref<10000x16xf32, #tpu.memory_space<vmem_shared>> -> memref<96x16xf32, #tpu.memory_space<vmem_shared>>
      %dma_wait3A_300 = arith.constant 0 : i32
      %dma_wait3A_301 = arith.constant 0 : i32
      %dma_wait3A_302 = tpu.memref_slice %arg21[%dma_wait3A_300, %dma_wait3A_301] : memref<96x16xf32, #tpu.memory_space<vmem>> -> memref<96x16xf32, #tpu.memory_space<vmem>>
      tpu.wait_dma2 semaphore(%run_scoped3A_282 : memref<!tpu.dma_semaphore, #tpu.memory_space<semaphore_mem>>) src(%dma_wait3A_302 : memref<96x16xf32, #tpu.memory_space<vmem>>) dst(%dma_wait3A_299 : memref<96x16xf32, #tpu.memory_space<vmem_shared>>)
      tpu.yield
    }) : () -> ()
    %add3A_68 = arith.constant 192 : i32
    %add3A_69 = arith.addi %mul3A_59, %add3A_68 : i32
    "tpu.region"() ({
      %run_scoped3A_282 = tpu.sem_alloc : memref<!tpu.dma_semaphore, #tpu.memory_space<semaphore_mem>>
      %dma_start3A_283 = arith.constant 0 : i32
      %dma_start3A_284 = arith.constant 0 : i32
      %dma_start3A_285 = tpu.memref_slice %arg8[%dma_start3A_283, %dma_start3A_284] : memref<96x128xf32, #tpu.memory_space<vmem>> -> memref<96x128xf32, #tpu.memory_space<vmem>>
      %dma_start3A_286 = arith.constant 0 : i32
      %dma_start3A_287 = tpu.memref_slice %arg6[%add3A_69, %dma_start3A_286] : memref<10000x128xf32, #tpu.memory_space<vmem_shared>> -> memref<96x128xf32, #tpu.memory_space<vmem_shared>>
      %dma_start3A_288 = arith.constant 0 : i32
      %dma_start3A_289 = tpu.memref_slice %arg6[%add3A_69, %dma_start3A_288] : memref<10000x128xf32, #tpu.memory_space<vmem_shared>> -> memref<96x128xf32, #tpu.memory_space<vmem_shared>>
      %dma_start3A_290 = arith.constant 0 : i32
      %dma_start3A_291 = arith.constant 0 : i32
      %dma_start3A_292 = tpu.memref_slice %arg8[%dma_start3A_290, %dma_start3A_291] : memref<96x128xf32, #tpu.memory_space<vmem>> -> memref<96x128xf32, #tpu.memory_space<vmem>>
      tpu.enqueue_dma source(%dma_start3A_292 : memref<96x128xf32, #tpu.memory_space<vmem>>) target(%dma_start3A_289 : memref<96x128xf32, #tpu.memory_space<vmem_shared>>) target_semaphore(%run_scoped3A_282 : memref<!tpu.dma_semaphore, #tpu.memory_space<semaphore_mem>>)
      %dma_wait3A_293 = arith.constant 0 : i32
      %dma_wait3A_294 = arith.constant 0 : i32
      %dma_wait3A_295 = tpu.memref_slice %arg8[%dma_wait3A_293, %dma_wait3A_294] : memref<96x128xf32, #tpu.memory_space<vmem>> -> memref<96x128xf32, #tpu.memory_space<vmem>>
      %dma_wait3A_296 = arith.constant 0 : i32
      %dma_wait3A_297 = tpu.memref_slice %arg6[%add3A_69, %dma_wait3A_296] : memref<10000x128xf32, #tpu.memory_space<vmem_shared>> -> memref<96x128xf32, #tpu.memory_space<vmem_shared>>
      %dma_wait3A_298 = arith.constant 0 : i32
      %dma_wait3A_299 = tpu.memref_slice %arg6[%add3A_69, %dma_wait3A_298] : memref<10000x128xf32, #tpu.memory_space<vmem_shared>> -> memref<96x128xf32, #tpu.memory_space<vmem_shared>>
      %dma_wait3A_300 = arith.constant 0 : i32
      %dma_wait3A_301 = arith.constant 0 : i32
      %dma_wait3A_302 = tpu.memref_slice %arg8[%dma_wait3A_300, %dma_wait3A_301] : memref<96x128xf32, #tpu.memory_space<vmem>> -> memref<96x128xf32, #tpu.memory_space<vmem>>
      tpu.wait_dma2 semaphore(%run_scoped3A_282 : memref<!tpu.dma_semaphore, #tpu.memory_space<semaphore_mem>>) src(%dma_wait3A_302 : memref<96x128xf32, #tpu.memory_space<vmem>>) dst(%dma_wait3A_299 : memref<96x128xf32, #tpu.memory_space<vmem_shared>>)
      tpu.yield
    }) : () -> ()
    %add3A_70 = arith.constant 192 : i32
    %add3A_71 = arith.addi %mul3A_59, %add3A_70 : i32
    "tpu.region"() ({
      %run_scoped3A_282 = tpu.sem_alloc : memref<!tpu.dma_semaphore, #tpu.memory_space<semaphore_mem>>
      %dma_start3A_283 = arith.constant 0 : i32
      %dma_start3A_284 = arith.constant 0 : i32
      %dma_start3A_285 = tpu.memref_slice %arg21[%dma_start3A_283, %dma_start3A_284] : memref<96x16xf32, #tpu.memory_space<vmem>> -> memref<96x16xf32, #tpu.memory_space<vmem>>
      %dma_start3A_286 = arith.constant 0 : i32
      %dma_start3A_287 = tpu.memref_slice %arg7[%add3A_71, %dma_start3A_286] : memref<10000x16xf32, #tpu.memory_space<vmem_shared>> -> memref<96x16xf32, #tpu.memory_space<vmem_shared>>
      %dma_start3A_288 = arith.constant 0 : i32
      %dma_start3A_289 = tpu.memref_slice %arg7[%add3A_71, %dma_start3A_288] : memref<10000x16xf32, #tpu.memory_space<vmem_shared>> -> memref<96x16xf32, #tpu.memory_space<vmem_shared>>
      %dma_start3A_290 = arith.constant 0 : i32
      %dma_start3A_291 = arith.constant 0 : i32
      %dma_start3A_292 = tpu.memref_slice %arg21[%dma_start3A_290, %dma_start3A_291] : memref<96x16xf32, #tpu.memory_space<vmem>> -> memref<96x16xf32, #tpu.memory_space<vmem>>
      tpu.enqueue_dma source(%dma_start3A_292 : memref<96x16xf32, #tpu.memory_space<vmem>>) target(%dma_start3A_289 : memref<96x16xf32, #tpu.memory_space<vmem_shared>>) target_semaphore(%run_scoped3A_282 : memref<!tpu.dma_semaphore, #tpu.memory_space<semaphore_mem>>)
      %dma_wait3A_293 = arith.constant 0 : i32
      %dma_wait3A_294 = arith.constant 0 : i32
      %dma_wait3A_295 = tpu.memref_slice %arg21[%dma_wait3A_293, %dma_wait3A_294] : memref<96x16xf32, #tpu.memory_space<vmem>> -> memref<96x16xf32, #tpu.memory_space<vmem>>
      %dma_wait3A_296 = arith.constant 0 : i32
      %dma_wait3A_297 = tpu.memref_slice %arg7[%add3A_71, %dma_wait3A_296] : memref<10000x16xf32, #tpu.memory_space<vmem_shared>> -> memref<96x16xf32, #tpu.memory_space<vmem_shared>>
      %dma_wait3A_298 = arith.constant 0 : i32
      %dma_wait3A_299 = tpu.memref_slice %arg7[%add3A_71, %dma_wait3A_298] : memref<10000x16xf32, #tpu.memory_space<vmem_shared>> -> memref<96x16xf32, #tpu.memory_space<vmem_shared>>
      %dma_wait3A_300 = arith.constant 0 : i32
      %dma_wait3A_301 = arith.constant 0 : i32
      %dma_wait3A_302 = tpu.memref_slice %arg21[%dma_wait3A_300, %dma_wait3A_301] : memref<96x16xf32, #tpu.memory_space<vmem>> -> memref<96x16xf32, #tpu.memory_space<vmem>>
      tpu.wait_dma2 semaphore(%run_scoped3A_282 : memref<!tpu.dma_semaphore, #tpu.memory_space<semaphore_mem>>) src(%dma_wait3A_302 : memref<96x16xf32, #tpu.memory_space<vmem>>) dst(%dma_wait3A_299 : memref<96x16xf32, #tpu.memory_space<vmem_shared>>)
      tpu.yield
    }) : () -> ()
    %add3A_72 = arith.constant 288 : i32
    %add3A_73 = arith.addi %mul3A_59, %add3A_72 : i32
    "tpu.region"() ({
      %run_scoped3A_282 = tpu.sem_alloc : memref<!tpu.dma_semaphore, #tpu.memory_space<semaphore_mem>>
      %dma_start3A_283 = arith.constant 0 : i32
      %dma_start3A_284 = arith.constant 0 : i32
      %dma_start3A_285 = tpu.memref_slice %arg8[%dma_start3A_283, %dma_start3A_284] : memref<96x128xf32, #tpu.memory_space<vmem>> -> memref<96x128xf32, #tpu.memory_space<vmem>>
      %dma_start3A_286 = arith.constant 0 : i32
      %dma_start3A_287 = tpu.memref_slice %arg6[%add3A_73, %dma_start3A_286] : memref<10000x128xf32, #tpu.memory_space<vmem_shared>> -> memref<96x128xf32, #tpu.memory_space<vmem_shared>>
      %dma_start3A_288 = arith.constant 0 : i32
      %dma_start3A_289 = tpu.memref_slice %arg6[%add3A_73, %dma_start3A_288] : memref<10000x128xf32, #tpu.memory_space<vmem_shared>> -> memref<96x128xf32, #tpu.memory_space<vmem_shared>>
      %dma_start3A_290 = arith.constant 0 : i32
      %dma_start3A_291 = arith.constant 0 : i32
      %dma_start3A_292 = tpu.memref_slice %arg8[%dma_start3A_290, %dma_start3A_291] : memref<96x128xf32, #tpu.memory_space<vmem>> -> memref<96x128xf32, #tpu.memory_space<vmem>>
      tpu.enqueue_dma source(%dma_start3A_292 : memref<96x128xf32, #tpu.memory_space<vmem>>) target(%dma_start3A_289 : memref<96x128xf32, #tpu.memory_space<vmem_shared>>) target_semaphore(%run_scoped3A_282 : memref<!tpu.dma_semaphore, #tpu.memory_space<semaphore_mem>>)
      %dma_wait3A_293 = arith.constant 0 : i32
      %dma_wait3A_294 = arith.constant 0 : i32
      %dma_wait3A_295 = tpu.memref_slice %arg8[%dma_wait3A_293, %dma_wait3A_294] : memref<96x128xf32, #tpu.memory_space<vmem>> -> memref<96x128xf32, #tpu.memory_space<vmem>>
      %dma_wait3A_296 = arith.constant 0 : i32
      %dma_wait3A_297 = tpu.memref_slice %arg6[%add3A_73, %dma_wait3A_296] : memref<10000x128xf32, #tpu.memory_space<vmem_shared>> -> memref<96x128xf32, #tpu.memory_space<vmem_shared>>
      %dma_wait3A_298 = arith.constant 0 : i32
      %dma_wait3A_299 = tpu.memref_slice %arg6[%add3A_73, %dma_wait3A_298] : memref<10000x128xf32, #tpu.memory_space<vmem_shared>> -> memref<96x128xf32, #tpu.memory_space<vmem_shared>>
      %dma_wait3A_300 = arith.constant 0 : i32
      %dma_wait3A_301 = arith.constant 0 : i32
      %dma_wait3A_302 = tpu.memref_slice %arg8[%dma_wait3A_300, %dma_wait3A_301] : memref<96x128xf32, #tpu.memory_space<vmem>> -> memref<96x128xf32, #tpu.memory_space<vmem>>
      tpu.wait_dma2 semaphore(%run_scoped3A_282 : memref<!tpu.dma_semaphore, #tpu.memory_space<semaphore_mem>>) src(%dma_wait3A_302 : memref<96x128xf32, #tpu.memory_space<vmem>>) dst(%dma_wait3A_299 : memref<96x128xf32, #tpu.memory_space<vmem_shared>>)
      tpu.yield
    }) : () -> ()
    %add3A_74 = arith.constant 288 : i32
    %add3A_75 = arith.addi %mul3A_59, %add3A_74 : i32
    "tpu.region"() ({
      %run_scoped3A_282 = tpu.sem_alloc : memref<!tpu.dma_semaphore, #tpu.memory_space<semaphore_mem>>
      %dma_start3A_283 = arith.constant 0 : i32
      %dma_start3A_284 = arith.constant 0 : i32
      %dma_start3A_285 = tpu.memref_slice %arg21[%dma_start3A_283, %dma_start3A_284] : memref<96x16xf32, #tpu.memory_space<vmem>> -> memref<96x16xf32, #tpu.memory_space<vmem>>
      %dma_start3A_286 = arith.constant 0 : i32
      %dma_start3A_287 = tpu.memref_slice %arg7[%add3A_75, %dma_start3A_286] : memref<10000x16xf32, #tpu.memory_space<vmem_shared>> -> memref<96x16xf32, #tpu.memory_space<vmem_shared>>
      %dma_start3A_288 = arith.constant 0 : i32
      %dma_start3A_289 = tpu.memref_slice %arg7[%add3A_75, %dma_start3A_288] : memref<10000x16xf32, #tpu.memory_space<vmem_shared>> -> memref<96x16xf32, #tpu.memory_space<vmem_shared>>
      %dma_start3A_290 = arith.constant 0 : i32
      %dma_start3A_291 = arith.constant 0 : i32
      %dma_start3A_292 = tpu.memref_slice %arg21[%dma_start3A_290, %dma_start3A_291] : memref<96x16xf32, #tpu.memory_space<vmem>> -> memref<96x16xf32, #tpu.memory_space<vmem>>
      tpu.enqueue_dma source(%dma_start3A_292 : memref<96x16xf32, #tpu.memory_space<vmem>>) target(%dma_start3A_289 : memref<96x16xf32, #tpu.memory_space<vmem_shared>>) target_semaphore(%run_scoped3A_282 : memref<!tpu.dma_semaphore, #tpu.memory_space<semaphore_mem>>)
      %dma_wait3A_293 = arith.constant 0 : i32
      %dma_wait3A_294 = arith.constant 0 : i32
      %dma_wait3A_295 = tpu.memref_slice %arg21[%dma_wait3A_293, %dma_wait3A_294] : memref<96x16xf32, #tpu.memory_space<vmem>> -> memref<96x16xf32, #tpu.memory_space<vmem>>
      %dma_wait3A_296 = arith.constant 0 : i32
      %dma_wait3A_297 = tpu.memref_slice %arg7[%add3A_75, %dma_wait3A_296] : memref<10000x16xf32, #tpu.memory_space<vmem_shared>> -> memref<96x16xf32, #tpu.memory_space<vmem_shared>>
      %dma_wait3A_298 = arith.constant 0 : i32
      %dma_wait3A_299 = tpu.memref_slice %arg7[%add3A_75, %dma_wait3A_298] : memref<10000x16xf32, #tpu.memory_space<vmem_shared>> -> memref<96x16xf32, #tpu.memory_space<vmem_shared>>
      %dma_wait3A_300 = arith.constant 0 : i32
      %dma_wait3A_301 = arith.constant 0 : i32
      %dma_wait3A_302 = tpu.memref_slice %arg21[%dma_wait3A_300, %dma_wait3A_301] : memref<96x16xf32, #tpu.memory_space<vmem>> -> memref<96x16xf32, #tpu.memory_space<vmem>>
      tpu.wait_dma2 semaphore(%run_scoped3A_282 : memref<!tpu.dma_semaphore, #tpu.memory_space<semaphore_mem>>) src(%dma_wait3A_302 : memref<96x16xf32, #tpu.memory_space<vmem>>) dst(%dma_wait3A_299 : memref<96x16xf32, #tpu.memory_space<vmem_shared>>)
      tpu.yield
    }) : () -> ()
    %add3A_76 = arith.constant 384 : i32
    %add3A_77 = arith.addi %mul3A_59, %add3A_76 : i32
    "tpu.region"() ({
      %run_scoped3A_282 = tpu.sem_alloc : memref<!tpu.dma_semaphore, #tpu.memory_space<semaphore_mem>>
      %dma_start3A_283 = arith.constant 0 : i32
      %dma_start3A_284 = arith.constant 0 : i32
      %dma_start3A_285 = tpu.memref_slice %arg8[%dma_start3A_283, %dma_start3A_284] : memref<96x128xf32, #tpu.memory_space<vmem>> -> memref<96x128xf32, #tpu.memory_space<vmem>>
      %dma_start3A_286 = arith.constant 0 : i32
      %dma_start3A_287 = tpu.memref_slice %arg6[%add3A_77, %dma_start3A_286] : memref<10000x128xf32, #tpu.memory_space<vmem_shared>> -> memref<96x128xf32, #tpu.memory_space<vmem_shared>>
      %dma_start3A_288 = arith.constant 0 : i32
      %dma_start3A_289 = tpu.memref_slice %arg6[%add3A_77, %dma_start3A_288] : memref<10000x128xf32, #tpu.memory_space<vmem_shared>> -> memref<96x128xf32, #tpu.memory_space<vmem_shared>>
      %dma_start3A_290 = arith.constant 0 : i32
      %dma_start3A_291 = arith.constant 0 : i32
      %dma_start3A_292 = tpu.memref_slice %arg8[%dma_start3A_290, %dma_start3A_291] : memref<96x128xf32, #tpu.memory_space<vmem>> -> memref<96x128xf32, #tpu.memory_space<vmem>>
      tpu.enqueue_dma source(%dma_start3A_292 : memref<96x128xf32, #tpu.memory_space<vmem>>) target(%dma_start3A_289 : memref<96x128xf32, #tpu.memory_space<vmem_shared>>) target_semaphore(%run_scoped3A_282 : memref<!tpu.dma_semaphore, #tpu.memory_space<semaphore_mem>>)
      %dma_wait3A_293 = arith.constant 0 : i32
      %dma_wait3A_294 = arith.constant 0 : i32
      %dma_wait3A_295 = tpu.memref_slice %arg8[%dma_wait3A_293, %dma_wait3A_294] : memref<96x128xf32, #tpu.memory_space<vmem>> -> memref<96x128xf32, #tpu.memory_space<vmem>>
      %dma_wait3A_296 = arith.constant 0 : i32
      %dma_wait3A_297 = tpu.memref_slice %arg6[%add3A_77, %dma_wait3A_296] : memref<10000x128xf32, #tpu.memory_space<vmem_shared>> -> memref<96x128xf32, #tpu.memory_space<vmem_shared>>
      %dma_wait3A_298 = arith.constant 0 : i32
      %dma_wait3A_299 = tpu.memref_slice %arg6[%add3A_77, %dma_wait3A_298] : memref<10000x128xf32, #tpu.memory_space<vmem_shared>> -> memref<96x128xf32, #tpu.memory_space<vmem_shared>>
      %dma_wait3A_300 = arith.constant 0 : i32
      %dma_wait3A_301 = arith.constant 0 : i32
      %dma_wait3A_302 = tpu.memref_slice %arg8[%dma_wait3A_300, %dma_wait3A_301] : memref<96x128xf32, #tpu.memory_space<vmem>> -> memref<96x128xf32, #tpu.memory_space<vmem>>
      tpu.wait_dma2 semaphore(%run_scoped3A_282 : memref<!tpu.dma_semaphore, #tpu.memory_space<semaphore_mem>>) src(%dma_wait3A_302 : memref<96x128xf32, #tpu.memory_space<vmem>>) dst(%dma_wait3A_299 : memref<96x128xf32, #tpu.memory_space<vmem_shared>>)
      tpu.yield
    }) : () -> ()
    %add3A_78 = arith.constant 384 : i32
    %add3A_79 = arith.addi %mul3A_59, %add3A_78 : i32
    "tpu.region"() ({
      %run_scoped3A_282 = tpu.sem_alloc : memref<!tpu.dma_semaphore, #tpu.memory_space<semaphore_mem>>
      %dma_start3A_283 = arith.constant 0 : i32
      %dma_start3A_284 = arith.constant 0 : i32
      %dma_start3A_285 = tpu.memref_slice %arg21[%dma_start3A_283, %dma_start3A_284] : memref<96x16xf32, #tpu.memory_space<vmem>> -> memref<96x16xf32, #tpu.memory_space<vmem>>
      %dma_start3A_286 = arith.constant 0 : i32
      %dma_start3A_287 = tpu.memref_slice %arg7[%add3A_79, %dma_start3A_286] : memref<10000x16xf32, #tpu.memory_space<vmem_shared>> -> memref<96x16xf32, #tpu.memory_space<vmem_shared>>
      %dma_start3A_288 = arith.constant 0 : i32
      %dma_start3A_289 = tpu.memref_slice %arg7[%add3A_79, %dma_start3A_288] : memref<10000x16xf32, #tpu.memory_space<vmem_shared>> -> memref<96x16xf32, #tpu.memory_space<vmem_shared>>
      %dma_start3A_290 = arith.constant 0 : i32
      %dma_start3A_291 = arith.constant 0 : i32
      %dma_start3A_292 = tpu.memref_slice %arg21[%dma_start3A_290, %dma_start3A_291] : memref<96x16xf32, #tpu.memory_space<vmem>> -> memref<96x16xf32, #tpu.memory_space<vmem>>
      tpu.enqueue_dma source(%dma_start3A_292 : memref<96x16xf32, #tpu.memory_space<vmem>>) target(%dma_start3A_289 : memref<96x16xf32, #tpu.memory_space<vmem_shared>>) target_semaphore(%run_scoped3A_282 : memref<!tpu.dma_semaphore, #tpu.memory_space<semaphore_mem>>)
      %dma_wait3A_293 = arith.constant 0 : i32
      %dma_wait3A_294 = arith.constant 0 : i32
      %dma_wait3A_295 = tpu.memref_slice %arg21[%dma_wait3A_293, %dma_wait3A_294] : memref<96x16xf32, #tpu.memory_space<vmem>> -> memref<96x16xf32, #tpu.memory_space<vmem>>
      %dma_wait3A_296 = arith.constant 0 : i32
      %dma_wait3A_297 = tpu.memref_slice %arg7[%add3A_79, %dma_wait3A_296] : memref<10000x16xf32, #tpu.memory_space<vmem_shared>> -> memref<96x16xf32, #tpu.memory_space<vmem_shared>>
      %dma_wait3A_298 = arith.constant 0 : i32
      %dma_wait3A_299 = tpu.memref_slice %arg7[%add3A_79, %dma_wait3A_298] : memref<10000x16xf32, #tpu.memory_space<vmem_shared>> -> memref<96x16xf32, #tpu.memory_space<vmem_shared>>
      %dma_wait3A_300 = arith.constant 0 : i32
      %dma_wait3A_301 = arith.constant 0 : i32
      %dma_wait3A_302 = tpu.memref_slice %arg21[%dma_wait3A_300, %dma_wait3A_301] : memref<96x16xf32, #tpu.memory_space<vmem>> -> memref<96x16xf32, #tpu.memory_space<vmem>>
      tpu.wait_dma2 semaphore(%run_scoped3A_282 : memref<!tpu.dma_semaphore, #tpu.memory_space<semaphore_mem>>) src(%dma_wait3A_302 : memref<96x16xf32, #tpu.memory_space<vmem>>) dst(%dma_wait3A_299 : memref<96x16xf32, #tpu.memory_space<vmem_shared>>)
      tpu.yield
    }) : () -> ()
    %add3A_80 = arith.constant 480 : i32
    %add3A_81 = arith.addi %mul3A_59, %add3A_80 : i32
    "tpu.region"() ({
      %run_scoped3A_282 = tpu.sem_alloc : memref<!tpu.dma_semaphore, #tpu.memory_space<semaphore_mem>>
      %dma_start3A_283 = arith.constant 0 : i32
      %dma_start3A_284 = arith.constant 0 : i32
      %dma_start3A_285 = tpu.memref_slice %arg8[%dma_start3A_283, %dma_start3A_284] : memref<96x128xf32, #tpu.memory_space<vmem>> -> memref<96x128xf32, #tpu.memory_space<vmem>>
      %dma_start3A_286 = arith.constant 0 : i32
      %dma_start3A_287 = tpu.memref_slice %arg6[%add3A_81, %dma_start3A_286] : memref<10000x128xf32, #tpu.memory_space<vmem_shared>> -> memref<96x128xf32, #tpu.memory_space<vmem_shared>>
      %dma_start3A_288 = arith.constant 0 : i32
      %dma_start3A_289 = tpu.memref_slice %arg6[%add3A_81, %dma_start3A_288] : memref<10000x128xf32, #tpu.memory_space<vmem_shared>> -> memref<96x128xf32, #tpu.memory_space<vmem_shared>>
      %dma_start3A_290 = arith.constant 0 : i32
      %dma_start3A_291 = arith.constant 0 : i32
      %dma_start3A_292 = tpu.memref_slice %arg8[%dma_start3A_290, %dma_start3A_291] : memref<96x128xf32, #tpu.memory_space<vmem>> -> memref<96x128xf32, #tpu.memory_space<vmem>>
      tpu.enqueue_dma source(%dma_start3A_292 : memref<96x128xf32, #tpu.memory_space<vmem>>) target(%dma_start3A_289 : memref<96x128xf32, #tpu.memory_space<vmem_shared>>) target_semaphore(%run_scoped3A_282 : memref<!tpu.dma_semaphore, #tpu.memory_space<semaphore_mem>>)
      %dma_wait3A_293 = arith.constant 0 : i32
      %dma_wait3A_294 = arith.constant 0 : i32
      %dma_wait3A_295 = tpu.memref_slice %arg8[%dma_wait3A_293, %dma_wait3A_294] : memref<96x128xf32, #tpu.memory_space<vmem>> -> memref<96x128xf32, #tpu.memory_space<vmem>>
      %dma_wait3A_296 = arith.constant 0 : i32
      %dma_wait3A_297 = tpu.memref_slice %arg6[%add3A_81, %dma_wait3A_296] : memref<10000x128xf32, #tpu.memory_space<vmem_shared>> -> memref<96x128xf32, #tpu.memory_space<vmem_shared>>
      %dma_wait3A_298 = arith.constant 0 : i32
      %dma_wait3A_299 = tpu.memref_slice %arg6[%add3A_81, %dma_wait3A_298] : memref<10000x128xf32, #tpu.memory_space<vmem_shared>> -> memref<96x128xf32, #tpu.memory_space<vmem_shared>>
      %dma_wait3A_300 = arith.constant 0 : i32
      %dma_wait3A_301 = arith.constant 0 : i32
      %dma_wait3A_302 = tpu.memref_slice %arg8[%dma_wait3A_300, %dma_wait3A_301] : memref<96x128xf32, #tpu.memory_space<vmem>> -> memref<96x128xf32, #tpu.memory_space<vmem>>
      tpu.wait_dma2 semaphore(%run_scoped3A_282 : memref<!tpu.dma_semaphore, #tpu.memory_space<semaphore_mem>>) src(%dma_wait3A_302 : memref<96x128xf32, #tpu.memory_space<vmem>>) dst(%dma_wait3A_299 : memref<96x128xf32, #tpu.memory_space<vmem_shared>>)
      tpu.yield
    }) : () -> ()
    %add3A_82 = arith.constant 480 : i32
    %add3A_83 = arith.addi %mul3A_59, %add3A_82 : i32
    "tpu.region"() ({
      %run_scoped3A_282 = tpu.sem_alloc : memref<!tpu.dma_semaphore, #tpu.memory_space<semaphore_mem>>
      %dma_start3A_283 = arith.constant 0 : i32
      %dma_start3A_284 = arith.constant 0 : i32
      %dma_start3A_285 = tpu.memref_slice %arg21[%dma_start3A_283, %dma_start3A_284] : memref<96x16xf32, #tpu.memory_space<vmem>> -> memref<96x16xf32, #tpu.memory_space<vmem>>
      %dma_start3A_286 = arith.constant 0 : i32
      %dma_start3A_287 = tpu.memref_slice %arg7[%add3A_83, %dma_start3A_286] : memref<10000x16xf32, #tpu.memory_space<vmem_shared>> -> memref<96x16xf32, #tpu.memory_space<vmem_shared>>
      %dma_start3A_288 = arith.constant 0 : i32
      %dma_start3A_289 = tpu.memref_slice %arg7[%add3A_83, %dma_start3A_288] : memref<10000x16xf32, #tpu.memory_space<vmem_shared>> -> memref<96x16xf32, #tpu.memory_space<vmem_shared>>
      %dma_start3A_290 = arith.constant 0 : i32
      %dma_start3A_291 = arith.constant 0 : i32
      %dma_start3A_292 = tpu.memref_slice %arg21[%dma_start3A_290, %dma_start3A_291] : memref<96x16xf32, #tpu.memory_space<vmem>> -> memref<96x16xf32, #tpu.memory_space<vmem>>
      tpu.enqueue_dma source(%dma_start3A_292 : memref<96x16xf32, #tpu.memory_space<vmem>>) target(%dma_start3A_289 : memref<96x16xf32, #tpu.memory_space<vmem_shared>>) target_semaphore(%run_scoped3A_282 : memref<!tpu.dma_semaphore, #tpu.memory_space<semaphore_mem>>)
      %dma_wait3A_293 = arith.constant 0 : i32
      %dma_wait3A_294 = arith.constant 0 : i32
      %dma_wait3A_295 = tpu.memref_slice %arg21[%dma_wait3A_293, %dma_wait3A_294] : memref<96x16xf32, #tpu.memory_space<vmem>> -> memref<96x16xf32, #tpu.memory_space<vmem>>
      %dma_wait3A_296 = arith.constant 0 : i32
      %dma_wait3A_297 = tpu.memref_slice %arg7[%add3A_83, %dma_wait3A_296] : memref<10000x16xf32, #tpu.memory_space<vmem_shared>> -> memref<96x16xf32, #tpu.memory_space<vmem_shared>>
      %dma_wait3A_298 = arith.constant 0 : i32
      %dma_wait3A_299 = tpu.memref_slice %arg7[%add3A_83, %dma_wait3A_298] : memref<10000x16xf32, #tpu.memory_space<vmem_shared>> -> memref<96x16xf32, #tpu.memory_space<vmem_shared>>
      %dma_wait3A_300 = arith.constant 0 : i32
      %dma_wait3A_301 = arith.constant 0 : i32
      %dma_wait3A_302 = tpu.memref_slice %arg21[%dma_wait3A_300, %dma_wait3A_301] : memref<96x16xf32, #tpu.memory_space<vmem>> -> memref<96x16xf32, #tpu.memory_space<vmem>>
      tpu.wait_dma2 semaphore(%run_scoped3A_282 : memref<!tpu.dma_semaphore, #tpu.memory_space<semaphore_mem>>) src(%dma_wait3A_302 : memref<96x16xf32, #tpu.memory_space<vmem>>) dst(%dma_wait3A_299 : memref<96x16xf32, #tpu.memory_space<vmem_shared>>)
      tpu.yield
    }) : () -> ()
    %add3A_84 = arith.constant 576 : i32
    %add3A_85 = arith.addi %mul3A_59, %add3A_84 : i32
    "tpu.region"() ({
      %run_scoped3A_282 = tpu.sem_alloc : memref<!tpu.dma_semaphore, #tpu.memory_space<semaphore_mem>>
      %dma_start3A_283 = arith.constant 0 : i32
      %dma_start3A_284 = arith.constant 0 : i32
      %dma_start3A_285 = tpu.memref_slice %arg8[%dma_start3A_283, %dma_start3A_284] : memref<96x128xf32, #tpu.memory_space<vmem>> -> memref<48x128xf32, #tpu.memory_space<vmem>>
      %dma_start3A_286 = arith.constant 0 : i32
      %dma_start3A_287 = tpu.memref_slice %arg6[%add3A_85, %dma_start3A_286] : memref<10000x128xf32, #tpu.memory_space<vmem_shared>> -> memref<48x128xf32, #tpu.memory_space<vmem_shared>>
      %dma_start3A_288 = arith.constant 0 : i32
      %dma_start3A_289 = tpu.memref_slice %arg6[%add3A_85, %dma_start3A_288] : memref<10000x128xf32, #tpu.memory_space<vmem_shared>> -> memref<48x128xf32, #tpu.memory_space<vmem_shared>>
      %dma_start3A_290 = arith.constant 0 : i32
      %dma_start3A_291 = arith.constant 0 : i32
      %dma_start3A_292 = tpu.memref_slice %arg8[%dma_start3A_290, %dma_start3A_291] : memref<96x128xf32, #tpu.memory_space<vmem>> -> memref<48x128xf32, #tpu.memory_space<vmem>>
      tpu.enqueue_dma source(%dma_start3A_292 : memref<48x128xf32, #tpu.memory_space<vmem>>) target(%dma_start3A_289 : memref<48x128xf32, #tpu.memory_space<vmem_shared>>) target_semaphore(%run_scoped3A_282 : memref<!tpu.dma_semaphore, #tpu.memory_space<semaphore_mem>>)
      %dma_wait3A_293 = arith.constant 0 : i32
      %dma_wait3A_294 = arith.constant 0 : i32
      %dma_wait3A_295 = tpu.memref_slice %arg8[%dma_wait3A_293, %dma_wait3A_294] : memref<96x128xf32, #tpu.memory_space<vmem>> -> memref<48x128xf32, #tpu.memory_space<vmem>>
      %dma_wait3A_296 = arith.constant 0 : i32
      %dma_wait3A_297 = tpu.memref_slice %arg6[%add3A_85, %dma_wait3A_296] : memref<10000x128xf32, #tpu.memory_space<vmem_shared>> -> memref<48x128xf32, #tpu.memory_space<vmem_shared>>
      %dma_wait3A_298 = arith.constant 0 : i32
      %dma_wait3A_299 = tpu.memref_slice %arg6[%add3A_85, %dma_wait3A_298] : memref<10000x128xf32, #tpu.memory_space<vmem_shared>> -> memref<48x128xf32, #tpu.memory_space<vmem_shared>>
      %dma_wait3A_300 = arith.constant 0 : i32
      %dma_wait3A_301 = arith.constant 0 : i32
      %dma_wait3A_302 = tpu.memref_slice %arg8[%dma_wait3A_300, %dma_wait3A_301] : memref<96x128xf32, #tpu.memory_space<vmem>> -> memref<48x128xf32, #tpu.memory_space<vmem>>
      tpu.wait_dma2 semaphore(%run_scoped3A_282 : memref<!tpu.dma_semaphore, #tpu.memory_space<semaphore_mem>>) src(%dma_wait3A_302 : memref<48x128xf32, #tpu.memory_space<vmem>>) dst(%dma_wait3A_299 : memref<48x128xf32, #tpu.memory_space<vmem_shared>>)
      tpu.yield
    }) : () -> ()
    %add3A_86 = arith.constant 576 : i32
    %add3A_87 = arith.addi %mul3A_59, %add3A_86 : i32
    "tpu.region"() ({
      %run_scoped3A_282 = tpu.sem_alloc : memref<!tpu.dma_semaphore, #tpu.memory_space<semaphore_mem>>
      %dma_start3A_283 = arith.constant 0 : i32
      %dma_start3A_284 = arith.constant 0 : i32
      %dma_start3A_285 = tpu.memref_slice %arg21[%dma_start3A_283, %dma_start3A_284] : memref<96x16xf32, #tpu.memory_space<vmem>> -> memref<48x16xf32, #tpu.memory_space<vmem>>
      %dma_start3A_286 = arith.constant 0 : i32
      %dma_start3A_287 = tpu.memref_slice %arg7[%add3A_87, %dma_start3A_286] : memref<10000x16xf32, #tpu.memory_space<vmem_shared>> -> memref<48x16xf32, #tpu.memory_space<vmem_shared>>
      %dma_start3A_288 = arith.constant 0 : i32
      %dma_start3A_289 = tpu.memref_slice %arg7[%add3A_87, %dma_start3A_288] : memref<10000x16xf32, #tpu.memory_space<vmem_shared>> -> memref<48x16xf32, #tpu.memory_space<vmem_shared>>
      %dma_start3A_290 = arith.constant 0 : i32
      %dma_start3A_291 = arith.constant 0 : i32
      %dma_start3A_292 = tpu.memref_slice %arg21[%dma_start3A_290, %dma_start3A_291] : memref<96x16xf32, #tpu.memory_space<vmem>> -> memref<48x16xf32, #tpu.memory_space<vmem>>
      tpu.enqueue_dma source(%dma_start3A_292 : memref<48x16xf32, #tpu.memory_space<vmem>>) target(%dma_start3A_289 : memref<48x16xf32, #tpu.memory_space<vmem_shared>>) target_semaphore(%run_scoped3A_282 : memref<!tpu.dma_semaphore, #tpu.memory_space<semaphore_mem>>)
      %dma_wait3A_293 = arith.constant 0 : i32
      %dma_wait3A_294 = arith.constant 0 : i32
      %dma_wait3A_295 = tpu.memref_slice %arg21[%dma_wait3A_293, %dma_wait3A_294] : memref<96x16xf32, #tpu.memory_space<vmem>> -> memref<48x16xf32, #tpu.memory_space<vmem>>
      %dma_wait3A_296 = arith.constant 0 : i32
      %dma_wait3A_297 = tpu.memref_slice %arg7[%add3A_87, %dma_wait3A_296] : memref<10000x16xf32, #tpu.memory_space<vmem_shared>> -> memref<48x16xf32, #tpu.memory_space<vmem_shared>>
      %dma_wait3A_298 = arith.constant 0 : i32
      %dma_wait3A_299 = tpu.memref_slice %arg7[%add3A_87, %dma_wait3A_298] : memref<10000x16xf32, #tpu.memory_space<vmem_shared>> -> memref<48x16xf32, #tpu.memory_space<vmem_shared>>
      %dma_wait3A_300 = arith.constant 0 : i32
      %dma_wait3A_301 = arith.constant 0 : i32
      %dma_wait3A_302 = tpu.memref_slice %arg21[%dma_wait3A_300, %dma_wait3A_301] : memref<96x16xf32, #tpu.memory_space<vmem>> -> memref<48x16xf32, #tpu.memory_space<vmem>>
      tpu.wait_dma2 semaphore(%run_scoped3A_282 : memref<!tpu.dma_semaphore, #tpu.memory_space<semaphore_mem>>) src(%dma_wait3A_302 : memref<48x16xf32, #tpu.memory_space<vmem>>) dst(%dma_wait3A_299 : memref<48x16xf32, #tpu.memory_space<vmem_shared>>)
      tpu.yield
    }) : () -> ()
    %eq3A_88 = arith.constant 15 : i32
    %eq3A_89 = arith.cmpi eq, %arg1, %eq3A_88 : i32
    %convert_element_type3A = arith.extui %eq3A_89 : i1 to i32
    %cond3A = arith.constant 0 : i32
    %cond3A_90 = arith.cmpi ne, %convert_element_type3A, %cond3A : i32
    scf.if %cond3A_90 {
      "tpu.region"() ({
        %run_scoped3A_282 = tpu.sem_alloc : memref<!tpu.dma_semaphore, #tpu.memory_space<semaphore_mem>>
        %dma_start3A_283 = arith.constant 0 : i32
        %dma_start3A_284 = arith.constant 0 : i32
        %dma_start3A_285 = tpu.memref_slice %arg8[%dma_start3A_283, %dma_start3A_284] : memref<96x128xf32, #tpu.memory_space<vmem>> -> memref<16x128xf32, #tpu.memory_space<vmem>>
        %dma_start3A_286 = arith.constant 9984 : i32
        %dma_start3A_287 = arith.constant 0 : i32
        %dma_start3A_288 = tpu.memref_slice %arg6[%dma_start3A_286, %dma_start3A_287] : memref<10000x128xf32, #tpu.memory_space<vmem_shared>> -> memref<16x128xf32, #tpu.memory_space<vmem_shared>>
        %dma_start3A_289 = arith.constant 9984 : i32
        %dma_start3A_290 = arith.constant 0 : i32
        %dma_start3A_291 = tpu.memref_slice %arg6[%dma_start3A_289, %dma_start3A_290] : memref<10000x128xf32, #tpu.memory_space<vmem_shared>> -> memref<16x128xf32, #tpu.memory_space<vmem_shared>>
        %dma_start3A_292 = arith.constant 0 : i32
        %dma_start3A_293 = arith.constant 0 : i32
        %dma_start3A_294 = tpu.memref_slice %arg8[%dma_start3A_292, %dma_start3A_293] : memref<96x128xf32, #tpu.memory_space<vmem>> -> memref<16x128xf32, #tpu.memory_space<vmem>>
        tpu.enqueue_dma source(%dma_start3A_294 : memref<16x128xf32, #tpu.memory_space<vmem>>) target(%dma_start3A_291 : memref<16x128xf32, #tpu.memory_space<vmem_shared>>) target_semaphore(%run_scoped3A_282 : memref<!tpu.dma_semaphore, #tpu.memory_space<semaphore_mem>>)
        %dma_wait3A_295 = arith.constant 0 : i32
        %dma_wait3A_296 = arith.constant 0 : i32
        %dma_wait3A_297 = tpu.memref_slice %arg8[%dma_wait3A_295, %dma_wait3A_296] : memref<96x128xf32, #tpu.memory_space<vmem>> -> memref<16x128xf32, #tpu.memory_space<vmem>>
        %dma_wait3A_298 = arith.constant 9984 : i32
        %dma_wait3A_299 = arith.constant 0 : i32
        %dma_wait3A_300 = tpu.memref_slice %arg6[%dma_wait3A_298, %dma_wait3A_299] : memref<10000x128xf32, #tpu.memory_space<vmem_shared>> -> memref<16x128xf32, #tpu.memory_space<vmem_shared>>
        %dma_wait3A_301 = arith.constant 9984 : i32
        %dma_wait3A_302 = arith.constant 0 : i32
        %dma_wait3A_303 = tpu.memref_slice %arg6[%dma_wait3A_301, %dma_wait3A_302] : memref<10000x128xf32, #tpu.memory_space<vmem_shared>> -> memref<16x128xf32, #tpu.memory_space<vmem_shared>>
        %dma_wait3A_304 = arith.constant 0 : i32
        %dma_wait3A_305 = arith.constant 0 : i32
        %dma_wait3A_306 = tpu.memref_slice %arg8[%dma_wait3A_304, %dma_wait3A_305] : memref<96x128xf32, #tpu.memory_space<vmem>> -> memref<16x128xf32, #tpu.memory_space<vmem>>
        tpu.wait_dma2 semaphore(%run_scoped3A_282 : memref<!tpu.dma_semaphore, #tpu.memory_space<semaphore_mem>>) src(%dma_wait3A_306 : memref<16x128xf32, #tpu.memory_space<vmem>>) dst(%dma_wait3A_303 : memref<16x128xf32, #tpu.memory_space<vmem_shared>>)
        tpu.yield
      }) : () -> ()
      "tpu.region"() ({
        %run_scoped3A_282 = tpu.sem_alloc : memref<!tpu.dma_semaphore, #tpu.memory_space<semaphore_mem>>
        %dma_start3A_283 = arith.constant 0 : i32
        %dma_start3A_284 = arith.constant 0 : i32
        %dma_start3A_285 = tpu.memref_slice %arg21[%dma_start3A_283, %dma_start3A_284] : memref<96x16xf32, #tpu.memory_space<vmem>> -> memref<16x16xf32, #tpu.memory_space<vmem>>
        %dma_start3A_286 = arith.constant 9984 : i32
        %dma_start3A_287 = arith.constant 0 : i32
        %dma_start3A_288 = tpu.memref_slice %arg7[%dma_start3A_286, %dma_start3A_287] : memref<10000x16xf32, #tpu.memory_space<vmem_shared>> -> memref<16x16xf32, #tpu.memory_space<vmem_shared>>
        %dma_start3A_289 = arith.constant 9984 : i32
        %dma_start3A_290 = arith.constant 0 : i32
        %dma_start3A_291 = tpu.memref_slice %arg7[%dma_start3A_289, %dma_start3A_290] : memref<10000x16xf32, #tpu.memory_space<vmem_shared>> -> memref<16x16xf32, #tpu.memory_space<vmem_shared>>
        %dma_start3A_292 = arith.constant 0 : i32
        %dma_start3A_293 = arith.constant 0 : i32
        %dma_start3A_294 = tpu.memref_slice %arg21[%dma_start3A_292, %dma_start3A_293] : memref<96x16xf32, #tpu.memory_space<vmem>> -> memref<16x16xf32, #tpu.memory_space<vmem>>
        tpu.enqueue_dma source(%dma_start3A_294 : memref<16x16xf32, #tpu.memory_space<vmem>>) target(%dma_start3A_291 : memref<16x16xf32, #tpu.memory_space<vmem_shared>>) target_semaphore(%run_scoped3A_282 : memref<!tpu.dma_semaphore, #tpu.memory_space<semaphore_mem>>)
        %dma_wait3A_295 = arith.constant 0 : i32
        %dma_wait3A_296 = arith.constant 0 : i32
        %dma_wait3A_297 = tpu.memref_slice %arg21[%dma_wait3A_295, %dma_wait3A_296] : memref<96x16xf32, #tpu.memory_space<vmem>> -> memref<16x16xf32, #tpu.memory_space<vmem>>
        %dma_wait3A_298 = arith.constant 9984 : i32
        %dma_wait3A_299 = arith.constant 0 : i32
        %dma_wait3A_300 = tpu.memref_slice %arg7[%dma_wait3A_298, %dma_wait3A_299] : memref<10000x16xf32, #tpu.memory_space<vmem_shared>> -> memref<16x16xf32, #tpu.memory_space<vmem_shared>>
        %dma_wait3A_301 = arith.constant 9984 : i32
        %dma_wait3A_302 = arith.constant 0 : i32
        %dma_wait3A_303 = tpu.memref_slice %arg7[%dma_wait3A_301, %dma_wait3A_302] : memref<10000x16xf32, #tpu.memory_space<vmem_shared>> -> memref<16x16xf32, #tpu.memory_space<vmem_shared>>
        %dma_wait3A_304 = arith.constant 0 : i32
        %dma_wait3A_305 = arith.constant 0 : i32
        %dma_wait3A_306 = tpu.memref_slice %arg21[%dma_wait3A_304, %dma_wait3A_305] : memref<96x16xf32, #tpu.memory_space<vmem>> -> memref<16x16xf32, #tpu.memory_space<vmem>>
        tpu.wait_dma2 semaphore(%run_scoped3A_282 : memref<!tpu.dma_semaphore, #tpu.memory_space<semaphore_mem>>) src(%dma_wait3A_306 : memref<16x16xf32, #tpu.memory_space<vmem>>) dst(%dma_wait3A_303 : memref<16x16xf32, #tpu.memory_space<vmem_shared>>)
        tpu.yield
      }) : () -> ()
    } else {
    }
    %add3A_91 = arith.constant 0 : i32
    %add3A_92 = arith.addi %mul3A_2, %add3A_91 : i32
    %multiple_of3A_93 = tpu.assume_multiple %add3A_92, 8 : i32
    %dma_wait3A = arith.constant 0 : i32
    %dma_wait3A_94 = tpu.memref_slice %arg3[%dma_wait3A, %multiple_of3A_93] : memref<2x320000xi32, #tpu.memory_space<hbm>> -> memref<1x96xi32, #tpu.memory_space<hbm>>
    %dma_wait3A_95 = tpu.memref_squeeze %dma_wait3A_94 : memref<1x96xi32, #tpu.memory_space<hbm>> -> memref<96xi32, #tpu.memory_space<hbm>>
    %dma_wait3A_96 = tpu.memref_slice %arg3[%dma_wait3A, %multiple_of3A_93] : memref<2x320000xi32, #tpu.memory_space<hbm>> -> memref<1x96xi32, #tpu.memory_space<hbm>>
    %dma_wait3A_97 = tpu.memref_squeeze %dma_wait3A_96 : memref<1x96xi32, #tpu.memory_space<hbm>> -> memref<96xi32, #tpu.memory_space<hbm>>
    tpu.wait_dma2 semaphore(%arg25 : memref<!tpu.dma_semaphore, #tpu.memory_space<semaphore_mem>>) src(%dma_wait3A_97 : memref<96xi32, #tpu.memory_space<hbm>>) dst(%arg11 : memref<96xi32, #tpu.memory_space<vmem>>)
    %dma_start3A_98 = arith.constant 0 : i32
    %dma_start3A_99 = arith.constant 0 : i32
    %dma_start3A_100 = tpu.memref_slice %arg2[%dma_start3A_98, %dma_start3A_99] : memref<10000x128xf32, #tpu.memory_space<hbm>> -> memref<10000x128xf32, #tpu.memory_space<hbm>>
    tpu.enqueue_indirect_dma source(%dma_start3A_100 : memref<10000x128xf32, #tpu.memory_space<hbm>>) target(%arg8 : memref<96x128xf32, #tpu.memory_space<vmem>>) offsets(%arg11 : memref<96xi32, #tpu.memory_space<vmem>>) semaphore(%arg22 : memref<!tpu.dma_semaphore, #tpu.memory_space<semaphore_mem>>)
    %add3A_101 = arith.constant 96 : i32
    %add3A_102 = arith.addi %mul3A_2, %add3A_101 : i32
    %multiple_of3A_103 = tpu.assume_multiple %add3A_102, 8 : i32
    %dma_wait3A_104 = arith.constant 0 : i32
    %dma_wait3A_105 = tpu.memref_slice %arg3[%dma_wait3A_104, %multiple_of3A_103] : memref<2x320000xi32, #tpu.memory_space<hbm>> -> memref<1x96xi32, #tpu.memory_space<hbm>>
    %dma_wait3A_106 = tpu.memref_squeeze %dma_wait3A_105 : memref<1x96xi32, #tpu.memory_space<hbm>> -> memref<96xi32, #tpu.memory_space<hbm>>
    %dma_wait3A_107 = tpu.memref_slice %arg3[%dma_wait3A_104, %multiple_of3A_103] : memref<2x320000xi32, #tpu.memory_space<hbm>> -> memref<1x96xi32, #tpu.memory_space<hbm>>
    %dma_wait3A_108 = tpu.memref_squeeze %dma_wait3A_107 : memref<1x96xi32, #tpu.memory_space<hbm>> -> memref<96xi32, #tpu.memory_space<hbm>>
    tpu.wait_dma2 semaphore(%arg26 : memref<!tpu.dma_semaphore, #tpu.memory_space<semaphore_mem>>) src(%dma_wait3A_108 : memref<96xi32, #tpu.memory_space<hbm>>) dst(%arg12 : memref<96xi32, #tpu.memory_space<vmem>>)
    %dma_start3A_109 = arith.constant 0 : i32
    %dma_start3A_110 = arith.constant 0 : i32
    %dma_start3A_111 = tpu.memref_slice %arg2[%dma_start3A_109, %dma_start3A_110] : memref<10000x128xf32, #tpu.memory_space<hbm>> -> memref<10000x128xf32, #tpu.memory_space<hbm>>
    tpu.enqueue_indirect_dma source(%dma_start3A_111 : memref<10000x128xf32, #tpu.memory_space<hbm>>) target(%arg9 : memref<96x128xf32, #tpu.memory_space<vmem>>) offsets(%arg12 : memref<96xi32, #tpu.memory_space<vmem>>) semaphore(%arg23 : memref<!tpu.dma_semaphore, #tpu.memory_space<semaphore_mem>>)
    %barrier3A = arith.constant 0 : index
    tpu.barrier barrier_id(%barrier3A)
    %scan3A_112 = arith.constant 0 : i32
    %scan3A_113 = arith.constant 0 : i32
    %scan3A_114 = arith.constant 34 : i32
    %scan3A_115 = arith.addi %scan3A_113, %scan3A_114 : i32
    %scan3A_116 = arith.constant 1 : i32
    scf.for %scan3A_282 = %scan3A_113 to %scan3A_115 step %scan3A_116  : i32 {
      %mul3A_283 = arith.constant 3 : i32
      %mul3A_284 = arith.muli %mul3A_283, %scan3A_282 : i32
      %add3A_285 = arith.constant 2 : i32
      %add3A_286 = arith.addi %mul3A_284, %add3A_285 : i32
      %mul3A_287 = arith.constant 96 : i32
      %mul3A_288 = arith.muli %add3A_286, %mul3A_287 : i32
      %add3A_289 = arith.addi %mul3A_2, %mul3A_288 : i32
      %multiple_of3A_290 = tpu.assume_multiple %add3A_289, 8 : i32
      %dma_start3A_291 = arith.constant 1 : i32
      %dma_start3A_292 = tpu.memref_slice %arg3[%dma_start3A_291, %multiple_of3A_290] : memref<2x320000xi32, #tpu.memory_space<hbm>> -> memref<1x96xi32, #tpu.memory_space<hbm>>
      %dma_start3A_293 = tpu.memref_squeeze %dma_start3A_292 : memref<1x96xi32, #tpu.memory_space<hbm>> -> memref<96xi32, #tpu.memory_space<hbm>>
      %dma_start3A_294 = tpu.memref_slice %arg3[%dma_start3A_291, %multiple_of3A_290] : memref<2x320000xi32, #tpu.memory_space<hbm>> -> memref<1x96xi32, #tpu.memory_space<hbm>>
      %dma_start3A_295 = tpu.memref_squeeze %dma_start3A_294 : memref<1x96xi32, #tpu.memory_space<hbm>> -> memref<96xi32, #tpu.memory_space<hbm>>
      tpu.enqueue_dma source(%dma_start3A_295 : memref<96xi32, #tpu.memory_space<hbm>>) target(%arg16 : memref<96xi32, #tpu.memory_space<vmem>>) target_semaphore(%arg33 : memref<!tpu.dma_semaphore, #tpu.memory_space<semaphore_mem>>)
      %mul3A_296 = arith.constant 96 : i32
      %mul3A_297 = arith.muli %mul3A_284, %mul3A_296 : i32
      %add3A_298 = arith.addi %mul3A_2, %mul3A_297 : i32
      %multiple_of3A_299 = tpu.assume_multiple %add3A_298, 8 : i32
      %dma_wait3A_300 = arith.constant 1 : i32
      %dma_wait3A_301 = tpu.memref_slice %arg3[%dma_wait3A_300, %multiple_of3A_299] : memref<2x320000xi32, #tpu.memory_space<hbm>> -> memref<1x96xi32, #tpu.memory_space<hbm>>
      %dma_wait3A_302 = tpu.memref_squeeze %dma_wait3A_301 : memref<1x96xi32, #tpu.memory_space<hbm>> -> memref<96xi32, #tpu.memory_space<hbm>>
      %dma_wait3A_303 = tpu.memref_slice %arg3[%dma_wait3A_300, %multiple_of3A_299] : memref<2x320000xi32, #tpu.memory_space<hbm>> -> memref<1x96xi32, #tpu.memory_space<hbm>>
      %dma_wait3A_304 = tpu.memref_squeeze %dma_wait3A_303 : memref<1x96xi32, #tpu.memory_space<hbm>> -> memref<96xi32, #tpu.memory_space<hbm>>
      tpu.wait_dma2 semaphore(%arg31 : memref<!tpu.dma_semaphore, #tpu.memory_space<semaphore_mem>>) src(%dma_wait3A_304 : memref<96xi32, #tpu.memory_space<hbm>>) dst(%arg14 : memref<96xi32, #tpu.memory_space<vmem>>)
      %add3A_305 = arith.constant 2 : i32
      %add3A_306 = arith.addi %mul3A_284, %add3A_305 : i32
      %mul3A_307 = arith.constant 96 : i32
      %mul3A_308 = arith.muli %add3A_306, %mul3A_307 : i32
      %add3A_309 = arith.addi %mul3A_2, %mul3A_308 : i32
      %multiple_of3A_310 = tpu.assume_multiple %add3A_309, 8 : i32
      %dma_wait3A_311 = arith.constant 0 : i32
      %dma_wait3A_312 = tpu.memref_slice %arg3[%dma_wait3A_311, %multiple_of3A_310] : memref<2x320000xi32, #tpu.memory_space<hbm>> -> memref<1x96xi32, #tpu.memory_space<hbm>>
      %dma_wait3A_313 = tpu.memref_squeeze %dma_wait3A_312 : memref<1x96xi32, #tpu.memory_space<hbm>> -> memref<96xi32, #tpu.memory_space<hbm>>
      %dma_wait3A_314 = tpu.memref_slice %arg3[%dma_wait3A_311, %multiple_of3A_310] : memref<2x320000xi32, #tpu.memory_space<hbm>> -> memref<1x96xi32, #tpu.memory_space<hbm>>
      %dma_wait3A_315 = tpu.memref_squeeze %dma_wait3A_314 : memref<1x96xi32, #tpu.memory_space<hbm>> -> memref<96xi32, #tpu.memory_space<hbm>>
      tpu.wait_dma2 semaphore(%arg27 : memref<!tpu.dma_semaphore, #tpu.memory_space<semaphore_mem>>) src(%dma_wait3A_315 : memref<96xi32, #tpu.memory_space<hbm>>) dst(%arg13 : memref<96xi32, #tpu.memory_space<vmem>>)
      %dma_start3A_316 = arith.constant 0 : i32
      %dma_start3A_317 = arith.constant 0 : i32
      %dma_start3A_318 = tpu.memref_slice %arg2[%dma_start3A_316, %dma_start3A_317] : memref<10000x128xf32, #tpu.memory_space<hbm>> -> memref<10000x128xf32, #tpu.memory_space<hbm>>
      tpu.enqueue_indirect_dma source(%dma_start3A_318 : memref<10000x128xf32, #tpu.memory_space<hbm>>) target(%arg10 : memref<96x128xf32, #tpu.memory_space<vmem>>) offsets(%arg13 : memref<96xi32, #tpu.memory_space<vmem>>) semaphore(%arg24 : memref<!tpu.dma_semaphore, #tpu.memory_space<semaphore_mem>>)
      %dma_wait3A_319 = arith.constant 0 : i32
      %dma_wait3A_320 = arith.constant 0 : i32
      %dma_wait3A_321 = tpu.memref_slice %arg2[%dma_wait3A_319, %dma_wait3A_320] : memref<10000x128xf32, #tpu.memory_space<hbm>> -> memref<10000x128xf32, #tpu.memory_space<hbm>>
      tpu.wait_indirect_dma semaphore(%arg22 : memref<!tpu.dma_semaphore, #tpu.memory_space<semaphore_mem>>) src(%dma_wait3A_321 : memref<10000x128xf32, #tpu.memory_space<hbm>>) dst(%arg8 : memref<96x128xf32, #tpu.memory_space<vmem>>)
      %add3A_322 = arith.constant 3 : i32
      %add3A_323 = arith.addi %mul3A_284, %add3A_322 : i32
      %mul3A_324 = arith.constant 96 : i32
      %mul3A_325 = arith.muli %add3A_323, %mul3A_324 : i32
      %add3A_326 = arith.addi %mul3A_2, %mul3A_325 : i32
      %multiple_of3A_327 = tpu.assume_multiple %add3A_326, 8 : i32
      %dma_start3A_328 = arith.constant 0 : i32
      %dma_start3A_329 = tpu.memref_slice %arg3[%dma_start3A_328, %multiple_of3A_327] : memref<2x320000xi32, #tpu.memory_space<hbm>> -> memref<1x96xi32, #tpu.memory_space<hbm>>
      %dma_start3A_330 = tpu.memref_squeeze %dma_start3A_329 : memref<1x96xi32, #tpu.memory_space<hbm>> -> memref<96xi32, #tpu.memory_space<hbm>>
      %dma_start3A_331 = tpu.memref_slice %arg3[%dma_start3A_328, %multiple_of3A_327] : memref<2x320000xi32, #tpu.memory_space<hbm>> -> memref<1x96xi32, #tpu.memory_space<hbm>>
      %dma_start3A_332 = tpu.memref_squeeze %dma_start3A_331 : memref<1x96xi32, #tpu.memory_space<hbm>> -> memref<96xi32, #tpu.memory_space<hbm>>
      tpu.enqueue_dma source(%dma_start3A_332 : memref<96xi32, #tpu.memory_space<hbm>>) target(%arg11 : memref<96xi32, #tpu.memory_space<vmem>>) target_semaphore(%arg25 : memref<!tpu.dma_semaphore, #tpu.memory_space<semaphore_mem>>)
      "tpu.region"() ({
        %run_scoped3A_579 = tpu.sem_alloc : memref<!tpu.dma_semaphore, #tpu.memory_space<semaphore_mem>>
        %dma_start3A_580 = arith.constant 0 : i32
        %dma_start3A_581 = arith.constant 0 : i32
        %dma_start3A_582 = tpu.memref_slice %arg6[%dma_start3A_580, %dma_start3A_581] : memref<10000x128xf32, #tpu.memory_space<vmem_shared>> -> memref<10000x128xf32, #tpu.memory_space<vmem_shared>>
        tpu.enqueue_indirect_dma source(%arg8 : memref<96x128xf32, #tpu.memory_space<vmem>>) target(%dma_start3A_582 : memref<10000x128xf32, #tpu.memory_space<vmem_shared>>) offsets(%arg14 : memref<96xi32, #tpu.memory_space<vmem>>) semaphore(%run_scoped3A_579 : memref<!tpu.dma_semaphore, #tpu.memory_space<semaphore_mem>>) {add = true}
        %dma_wait3A_583 = arith.constant 0 : i32
        %dma_wait3A_584 = arith.constant 0 : i32
        %dma_wait3A_585 = tpu.memref_slice %arg6[%dma_wait3A_583, %dma_wait3A_584] : memref<10000x128xf32, #tpu.memory_space<vmem_shared>> -> memref<10000x128xf32, #tpu.memory_space<vmem_shared>>
        tpu.wait_indirect_dma semaphore(%run_scoped3A_579 : memref<!tpu.dma_semaphore, #tpu.memory_space<semaphore_mem>>) src(%arg8 : memref<96x128xf32, #tpu.memory_space<vmem>>) dst(%dma_wait3A_585 : memref<10000x128xf32, #tpu.memory_space<vmem_shared>>)
        tpu.yield
      }) : () -> ()
      %gt3A = arith.constant 0 : i32
      %gt3A_333 = arith.cmpi sgt, %scan3A_282, %gt3A : i32
      %convert_element_type3A_334 = arith.extui %gt3A_333 : i1 to i32
      %cond3A_335 = arith.constant 0 : i32
      %cond3A_336 = arith.cmpi ne, %convert_element_type3A_334, %cond3A_335 : i32
      scf.if %cond3A_336 {
        %dma_wait3A_579 = arith.constant 0 : i32
        %dma_wait3A_580 = arith.constant 0 : i32
        %dma_wait3A_581 = tpu.memref_slice %arg7[%dma_wait3A_579, %dma_wait3A_580] : memref<10000x16xf32, #tpu.memory_space<vmem_shared>> -> memref<10000x16xf32, #tpu.memory_space<vmem_shared>>
        tpu.wait_indirect_dma semaphore(%arg28 : memref<!tpu.dma_semaphore, #tpu.memory_space<semaphore_mem>>) src(%arg20 : memref<96x16xf32, #tpu.memory_space<vmem>>) dst(%dma_wait3A_581 : memref<10000x16xf32, #tpu.memory_space<vmem_shared>>)
      } else {
      }
      %get3A_337 = arith.constant 0 : index
      %get3A_338 = tpu.vector_load %arg14[%get3A_337] {strides = array<i32>} : memref<96xi32, #tpu.memory_space<vmem>>, vector<16xi32>,
      %get3A_339 = vector.shape_cast %get3A_338 : vector<16xi32> to vector<16xi32>
      %swap3A_340 = arith.constant 0 : index
      %swap3A_341 = tpu.vector_load %arg17[%swap3A_340] {strides = array<i32>} : memref<96xi32, #tpu.memory_space<vmem>>, vector<16xi32>,
      %swap3A_342 = vector.shape_cast %swap3A_341 : vector<16xi32> to vector<16xi32>
      %swap3A_343 = vector.shape_cast %get3A_339 : vector<16xi32> to vector<16xi32>
      tpu.vector_store %arg17[%swap3A_340], %swap3A_343 {strides = array<i32>} : memref<96xi32, #tpu.memory_space<vmem>>, vector<16xi32>,
      %get3A_344 = arith.constant 16 : index
      %get3A_345 = tpu.vector_load %arg14[%get3A_344] {strides = array<i32>} : memref<96xi32, #tpu.memory_space<vmem>>, vector<16xi32>,
      %get3A_346 = vector.shape_cast %get3A_345 : vector<16xi32> to vector<16xi32>
      %swap3A_347 = arith.constant 16 : index
      %swap3A_348 = tpu.vector_load %arg17[%swap3A_347] {strides = array<i32>} : memref<96xi32, #tpu.memory_space<vmem>>, vector<16xi32>,
      %swap3A_349 = vector.shape_cast %swap3A_348 : vector<16xi32> to vector<16xi32>
      %swap3A_350 = vector.shape_cast %get3A_346 : vector<16xi32> to vector<16xi32>
      tpu.vector_store %arg17[%swap3A_347], %swap3A_350 {strides = array<i32>} : memref<96xi32, #tpu.memory_space<vmem>>, vector<16xi32>,
      %get3A_351 = arith.constant 32 : index
      %get3A_352 = tpu.vector_load %arg14[%get3A_351] {strides = array<i32>} : memref<96xi32, #tpu.memory_space<vmem>>, vector<16xi32>,
      %get3A_353 = vector.shape_cast %get3A_352 : vector<16xi32> to vector<16xi32>
      %swap3A_354 = arith.constant 32 : index
      %swap3A_355 = tpu.vector_load %arg17[%swap3A_354] {strides = array<i32>} : memref<96xi32, #tpu.memory_space<vmem>>, vector<16xi32>,
      %swap3A_356 = vector.shape_cast %swap3A_355 : vector<16xi32> to vector<16xi32>
      %swap3A_357 = vector.shape_cast %get3A_353 : vector<16xi32> to vector<16xi32>
      tpu.vector_store %arg17[%swap3A_354], %swap3A_357 {strides = array<i32>} : memref<96xi32, #tpu.memory_space<vmem>>, vector<16xi32>,
      %get3A_358 = arith.constant 48 : index
      %get3A_359 = tpu.vector_load %arg14[%get3A_358] {strides = array<i32>} : memref<96xi32, #tpu.memory_space<vmem>>, vector<16xi32>,
      %get3A_360 = vector.shape_cast %get3A_359 : vector<16xi32> to vector<16xi32>
      %swap3A_361 = arith.constant 48 : index
      %swap3A_362 = tpu.vector_load %arg17[%swap3A_361] {strides = array<i32>} : memref<96xi32, #tpu.memory_space<vmem>>, vector<16xi32>,
      %swap3A_363 = vector.shape_cast %swap3A_362 : vector<16xi32> to vector<16xi32>
      %swap3A_364 = vector.shape_cast %get3A_360 : vector<16xi32> to vector<16xi32>
      tpu.vector_store %arg17[%swap3A_361], %swap3A_364 {strides = array<i32>} : memref<96xi32, #tpu.memory_space<vmem>>, vector<16xi32>,
      %get3A_365 = arith.constant 64 : index
      %get3A_366 = tpu.vector_load %arg14[%get3A_365] {strides = array<i32>} : memref<96xi32, #tpu.memory_space<vmem>>, vector<16xi32>,
      %get3A_367 = vector.shape_cast %get3A_366 : vector<16xi32> to vector<16xi32>
      %swap3A_368 = arith.constant 64 : index
      %swap3A_369 = tpu.vector_load %arg17[%swap3A_368] {strides = array<i32>} : memref<96xi32, #tpu.memory_space<vmem>>, vector<16xi32>,
      %swap3A_370 = vector.shape_cast %swap3A_369 : vector<16xi32> to vector<16xi32>
      %swap3A_371 = vector.shape_cast %get3A_367 : vector<16xi32> to vector<16xi32>
      tpu.vector_store %arg17[%swap3A_368], %swap3A_371 {strides = array<i32>} : memref<96xi32, #tpu.memory_space<vmem>>, vector<16xi32>,
      %get3A_372 = arith.constant 80 : index
      %get3A_373 = tpu.vector_load %arg14[%get3A_372] {strides = array<i32>} : memref<96xi32, #tpu.memory_space<vmem>>, vector<16xi32>,
      %get3A_374 = vector.shape_cast %get3A_373 : vector<16xi32> to vector<16xi32>
      %swap3A_375 = arith.constant 80 : index
      %swap3A_376 = tpu.vector_load %arg17[%swap3A_375] {strides = array<i32>} : memref<96xi32, #tpu.memory_space<vmem>>, vector<16xi32>,
      %swap3A_377 = vector.shape_cast %swap3A_376 : vector<16xi32> to vector<16xi32>
      %swap3A_378 = vector.shape_cast %get3A_374 : vector<16xi32> to vector<16xi32>
      tpu.vector_store %arg17[%swap3A_375], %swap3A_378 {strides = array<i32>} : memref<96xi32, #tpu.memory_space<vmem>>, vector<16xi32>,
      %dma_start3A_379 = arith.constant 0 : i32
      %dma_start3A_380 = arith.constant 0 : i32
      %dma_start3A_381 = tpu.memref_slice %arg7[%dma_start3A_379, %dma_start3A_380] : memref<10000x16xf32, #tpu.memory_space<vmem_shared>> -> memref<10000x16xf32, #tpu.memory_space<vmem_shared>>
      tpu.enqueue_indirect_dma source(%arg20 : memref<96x16xf32, #tpu.memory_space<vmem>>) target(%dma_start3A_381 : memref<10000x16xf32, #tpu.memory_space<vmem_shared>>) offsets(%arg17 : memref<96xi32, #tpu.memory_space<vmem>>) semaphore(%arg28 : memref<!tpu.dma_semaphore, #tpu.memory_space<semaphore_mem>>) {add = true}
      %mul3A_382 = arith.constant 3 : i32
      %mul3A_383 = arith.muli %mul3A_382, %scan3A_282 : i32
      %add3A_384 = arith.constant 1 : i32
      %add3A_385 = arith.addi %mul3A_383, %add3A_384 : i32
      %add3A_386 = arith.constant 2 : i32
      %add3A_387 = arith.addi %add3A_385, %add3A_386 : i32
      %mul3A_388 = arith.constant 96 : i32
      %mul3A_389 = arith.muli %add3A_387, %mul3A_388 : i32
      %add3A_390 = arith.addi %mul3A_2, %mul3A_389 : i32
      %multiple_of3A_391 = tpu.assume_multiple %add3A_390, 8 : i32
      %dma_start3A_392 = arith.constant 1 : i32
      %dma_start3A_393 = tpu.memref_slice %arg3[%dma_start3A_392, %multiple_of3A_391] : memref<2x320000xi32, #tpu.memory_space<hbm>> -> memref<1x96xi32, #tpu.memory_space<hbm>>
      %dma_start3A_394 = tpu.memref_squeeze %dma_start3A_393 : memref<1x96xi32, #tpu.memory_space<hbm>> -> memref<96xi32, #tpu.memory_space<hbm>>
      %dma_start3A_395 = tpu.memref_slice %arg3[%dma_start3A_392, %multiple_of3A_391] : memref<2x320000xi32, #tpu.memory_space<hbm>> -> memref<1x96xi32, #tpu.memory_space<hbm>>
      %dma_start3A_396 = tpu.memref_squeeze %dma_start3A_395 : memref<1x96xi32, #tpu.memory_space<hbm>> -> memref<96xi32, #tpu.memory_space<hbm>>
      tpu.enqueue_dma source(%dma_start3A_396 : memref<96xi32, #tpu.memory_space<hbm>>) target(%arg14 : memref<96xi32, #tpu.memory_space<vmem>>) target_semaphore(%arg31 : memref<!tpu.dma_semaphore, #tpu.memory_space<semaphore_mem>>)
      %mul3A_397 = arith.constant 96 : i32
      %mul3A_398 = arith.muli %add3A_385, %mul3A_397 : i32
      %add3A_399 = arith.addi %mul3A_2, %mul3A_398 : i32
      %multiple_of3A_400 = tpu.assume_multiple %add3A_399, 8 : i32
      %dma_wait3A_401 = arith.constant 1 : i32
      %dma_wait3A_402 = tpu.memref_slice %arg3[%dma_wait3A_401, %multiple_of3A_400] : memref<2x320000xi32, #tpu.memory_space<hbm>> -> memref<1x96xi32, #tpu.memory_space<hbm>>
      %dma_wait3A_403 = tpu.memref_squeeze %dma_wait3A_402 : memref<1x96xi32, #tpu.memory_space<hbm>> -> memref<96xi32, #tpu.memory_space<hbm>>
      %dma_wait3A_404 = tpu.memref_slice %arg3[%dma_wait3A_401, %multiple_of3A_400] : memref<2x320000xi32, #tpu.memory_space<hbm>> -> memref<1x96xi32, #tpu.memory_space<hbm>>
      %dma_wait3A_405 = tpu.memref_squeeze %dma_wait3A_404 : memref<1x96xi32, #tpu.memory_space<hbm>> -> memref<96xi32, #tpu.memory_space<hbm>>
      tpu.wait_dma2 semaphore(%arg32 : memref<!tpu.dma_semaphore, #tpu.memory_space<semaphore_mem>>) src(%dma_wait3A_405 : memref<96xi32, #tpu.memory_space<hbm>>) dst(%arg15 : memref<96xi32, #tpu.memory_space<vmem>>)
      %add3A_406 = arith.constant 2 : i32
      %add3A_407 = arith.addi %add3A_385, %add3A_406 : i32
      %mul3A_408 = arith.constant 96 : i32
      %mul3A_409 = arith.muli %add3A_407, %mul3A_408 : i32
      %add3A_410 = arith.addi %mul3A_2, %mul3A_409 : i32
      %multiple_of3A_411 = tpu.assume_multiple %add3A_410, 8 : i32
      %dma_wait3A_412 = arith.constant 0 : i32
      %dma_wait3A_413 = tpu.memref_slice %arg3[%dma_wait3A_412, %multiple_of3A_411] : memref<2x320000xi32, #tpu.memory_space<hbm>> -> memref<1x96xi32, #tpu.memory_space<hbm>>
      %dma_wait3A_414 = tpu.memref_squeeze %dma_wait3A_413 : memref<1x96xi32, #tpu.memory_space<hbm>> -> memref<96xi32, #tpu.memory_space<hbm>>
      %dma_wait3A_415 = tpu.memref_slice %arg3[%dma_wait3A_412, %multiple_of3A_411] : memref<2x320000xi32, #tpu.memory_space<hbm>> -> memref<1x96xi32, #tpu.memory_space<hbm>>
      %dma_wait3A_416 = tpu.memref_squeeze %dma_wait3A_415 : memref<1x96xi32, #tpu.memory_space<hbm>> -> memref<96xi32, #tpu.memory_space<hbm>>
      tpu.wait_dma2 semaphore(%arg25 : memref<!tpu.dma_semaphore, #tpu.memory_space<semaphore_mem>>) src(%dma_wait3A_416 : memref<96xi32, #tpu.memory_space<hbm>>) dst(%arg11 : memref<96xi32, #tpu.memory_space<vmem>>)
      %dma_start3A_417 = arith.constant 0 : i32
      %dma_start3A_418 = arith.constant 0 : i32
      %dma_start3A_419 = tpu.memref_slice %arg2[%dma_start3A_417, %dma_start3A_418] : memref<10000x128xf32, #tpu.memory_space<hbm>> -> memref<10000x128xf32, #tpu.memory_space<hbm>>
      tpu.enqueue_indirect_dma source(%dma_start3A_419 : memref<10000x128xf32, #tpu.memory_space<hbm>>) target(%arg8 : memref<96x128xf32, #tpu.memory_space<vmem>>) offsets(%arg11 : memref<96xi32, #tpu.memory_space<vmem>>) semaphore(%arg22 : memref<!tpu.dma_semaphore, #tpu.memory_space<semaphore_mem>>)
      %dma_wait3A_420 = arith.constant 0 : i32
      %dma_wait3A_421 = arith.constant 0 : i32
      %dma_wait3A_422 = tpu.memref_slice %arg2[%dma_wait3A_420, %dma_wait3A_421] : memref<10000x128xf32, #tpu.memory_space<hbm>> -> memref<10000x128xf32, #tpu.memory_space<hbm>>
      tpu.wait_indirect_dma semaphore(%arg23 : memref<!tpu.dma_semaphore, #tpu.memory_space<semaphore_mem>>) src(%dma_wait3A_422 : memref<10000x128xf32, #tpu.memory_space<hbm>>) dst(%arg9 : memref<96x128xf32, #tpu.memory_space<vmem>>)
      %add3A_423 = arith.constant 3 : i32
      %add3A_424 = arith.addi %add3A_385, %add3A_423 : i32
      %mul3A_425 = arith.constant 96 : i32
      %mul3A_426 = arith.muli %add3A_424, %mul3A_425 : i32
      %add3A_427 = arith.addi %mul3A_2, %mul3A_426 : i32
      %multiple_of3A_428 = tpu.assume_multiple %add3A_427, 8 : i32
      %dma_start3A_429 = arith.constant 0 : i32
      %dma_start3A_430 = tpu.memref_slice %arg3[%dma_start3A_429, %multiple_of3A_428] : memref<2x320000xi32, #tpu.memory_space<hbm>> -> memref<1x96xi32, #tpu.memory_space<hbm>>
      %dma_start3A_431 = tpu.memref_squeeze %dma_start3A_430 : memref<1x96xi32, #tpu.memory_space<hbm>> -> memref<96xi32, #tpu.memory_space<hbm>>
      %dma_start3A_432 = tpu.memref_slice %arg3[%dma_start3A_429, %multiple_of3A_428] : memref<2x320000xi32, #tpu.memory_space<hbm>> -> memref<1x96xi32, #tpu.memory_space<hbm>>
      %dma_start3A_433 = tpu.memref_squeeze %dma_start3A_432 : memref<1x96xi32, #tpu.memory_space<hbm>> -> memref<96xi32, #tpu.memory_space<hbm>>
      tpu.enqueue_dma source(%dma_start3A_433 : memref<96xi32, #tpu.memory_space<hbm>>) target(%arg12 : memref<96xi32, #tpu.memory_space<vmem>>) target_semaphore(%arg26 : memref<!tpu.dma_semaphore, #tpu.memory_space<semaphore_mem>>)
      "tpu.region"() ({
        %run_scoped3A_579 = tpu.sem_alloc : memref<!tpu.dma_semaphore, #tpu.memory_space<semaphore_mem>>
        %dma_start3A_580 = arith.constant 0 : i32
        %dma_start3A_581 = arith.constant 0 : i32
        %dma_start3A_582 = tpu.memref_slice %arg6[%dma_start3A_580, %dma_start3A_581] : memref<10000x128xf32, #tpu.memory_space<vmem_shared>> -> memref<10000x128xf32, #tpu.memory_space<vmem_shared>>
        tpu.enqueue_indirect_dma source(%arg9 : memref<96x128xf32, #tpu.memory_space<vmem>>) target(%dma_start3A_582 : memref<10000x128xf32, #tpu.memory_space<vmem_shared>>) offsets(%arg15 : memref<96xi32, #tpu.memory_space<vmem>>) semaphore(%run_scoped3A_579 : memref<!tpu.dma_semaphore, #tpu.memory_space<semaphore_mem>>) {add = true}
        %dma_wait3A_583 = arith.constant 0 : i32
        %dma_wait3A_584 = arith.constant 0 : i32
        %dma_wait3A_585 = tpu.memref_slice %arg6[%dma_wait3A_583, %dma_wait3A_584] : memref<10000x128xf32, #tpu.memory_space<vmem_shared>> -> memref<10000x128xf32, #tpu.memory_space<vmem_shared>>
        tpu.wait_indirect_dma semaphore(%run_scoped3A_579 : memref<!tpu.dma_semaphore, #tpu.memory_space<semaphore_mem>>) src(%arg9 : memref<96x128xf32, #tpu.memory_space<vmem>>) dst(%dma_wait3A_585 : memref<10000x128xf32, #tpu.memory_space<vmem_shared>>)
        tpu.yield
      }) : () -> ()
      %gt3A_434 = arith.constant 0 : i32
      %gt3A_435 = arith.cmpi sgt, %scan3A_282, %gt3A_434 : i32
      %convert_element_type3A_436 = arith.extui %gt3A_435 : i1 to i32
      %cond3A_437 = arith.constant 0 : i32
      %cond3A_438 = arith.cmpi ne, %convert_element_type3A_436, %cond3A_437 : i32
      scf.if %cond3A_438 {
        %dma_wait3A_579 = arith.constant 0 : i32
        %dma_wait3A_580 = arith.constant 0 : i32
        %dma_wait3A_581 = tpu.memref_slice %arg7[%dma_wait3A_579, %dma_wait3A_580] : memref<10000x16xf32, #tpu.memory_space<vmem_shared>> -> memref<10000x16xf32, #tpu.memory_space<vmem_shared>>
        tpu.wait_indirect_dma semaphore(%arg29 : memref<!tpu.dma_semaphore, #tpu.memory_space<semaphore_mem>>) src(%arg20 : memref<96x16xf32, #tpu.memory_space<vmem>>) dst(%dma_wait3A_581 : memref<10000x16xf32, #tpu.memory_space<vmem_shared>>)
      } else {
      }
      %get3A_439 = arith.constant 0 : index
      %get3A_440 = tpu.vector_load %arg15[%get3A_439] {strides = array<i32>} : memref<96xi32, #tpu.memory_space<vmem>>, vector<16xi32>,
      %get3A_441 = vector.shape_cast %get3A_440 : vector<16xi32> to vector<16xi32>
      %swap3A_442 = arith.constant 0 : index
      %swap3A_443 = tpu.vector_load %arg18[%swap3A_442] {strides = array<i32>} : memref<96xi32, #tpu.memory_space<vmem>>, vector<16xi32>,
      %swap3A_444 = vector.shape_cast %swap3A_443 : vector<16xi32> to vector<16xi32>
      %swap3A_445 = vector.shape_cast %get3A_441 : vector<16xi32> to vector<16xi32>
      tpu.vector_store %arg18[%swap3A_442], %swap3A_445 {strides = array<i32>} : memref<96xi32, #tpu.memory_space<vmem>>, vector<16xi32>,
      %get3A_446 = arith.constant 16 : index
      %get3A_447 = tpu.vector_load %arg15[%get3A_446] {strides = array<i32>} : memref<96xi32, #tpu.memory_space<vmem>>, vector<16xi32>,
      %get3A_448 = vector.shape_cast %get3A_447 : vector<16xi32> to vector<16xi32>
      %swap3A_449 = arith.constant 16 : index
      %swap3A_450 = tpu.vector_load %arg18[%swap3A_449] {strides = array<i32>} : memref<96xi32, #tpu.memory_space<vmem>>, vector<16xi32>,
      %swap3A_451 = vector.shape_cast %swap3A_450 : vector<16xi32> to vector<16xi32>
      %swap3A_452 = vector.shape_cast %get3A_448 : vector<16xi32> to vector<16xi32>
      tpu.vector_store %arg18[%swap3A_449], %swap3A_452 {strides = array<i32>} : memref<96xi32, #tpu.memory_space<vmem>>, vector<16xi32>,
      %get3A_453 = arith.constant 32 : index
      %get3A_454 = tpu.vector_load %arg15[%get3A_453] {strides = array<i32>} : memref<96xi32, #tpu.memory_space<vmem>>, vector<16xi32>,
      %get3A_455 = vector.shape_cast %get3A_454 : vector<16xi32> to vector<16xi32>
      %swap3A_456 = arith.constant 32 : index
      %swap3A_457 = tpu.vector_load %arg18[%swap3A_456] {strides = array<i32>} : memref<96xi32, #tpu.memory_space<vmem>>, vector<16xi32>,
      %swap3A_458 = vector.shape_cast %swap3A_457 : vector<16xi32> to vector<16xi32>
      %swap3A_459 = vector.shape_cast %get3A_455 : vector<16xi32> to vector<16xi32>
      tpu.vector_store %arg18[%swap3A_456], %swap3A_459 {strides = array<i32>} : memref<96xi32, #tpu.memory_space<vmem>>, vector<16xi32>,
      %get3A_460 = arith.constant 48 : index
      %get3A_461 = tpu.vector_load %arg15[%get3A_460] {strides = array<i32>} : memref<96xi32, #tpu.memory_space<vmem>>, vector<16xi32>,
      %get3A_462 = vector.shape_cast %get3A_461 : vector<16xi32> to vector<16xi32>
      %swap3A_463 = arith.constant 48 : index
      %swap3A_464 = tpu.vector_load %arg18[%swap3A_463] {strides = array<i32>} : memref<96xi32, #tpu.memory_space<vmem>>, vector<16xi32>,
      %swap3A_465 = vector.shape_cast %swap3A_464 : vector<16xi32> to vector<16xi32>
      %swap3A_466 = vector.shape_cast %get3A_462 : vector<16xi32> to vector<16xi32>
      tpu.vector_store %arg18[%swap3A_463], %swap3A_466 {strides = array<i32>} : memref<96xi32, #tpu.memory_space<vmem>>, vector<16xi32>,
      %get3A_467 = arith.constant 64 : index
      %get3A_468 = tpu.vector_load %arg15[%get3A_467] {strides = array<i32>} : memref<96xi32, #tpu.memory_space<vmem>>, vector<16xi32>,
      %get3A_469 = vector.shape_cast %get3A_468 : vector<16xi32> to vector<16xi32>
      %swap3A_470 = arith.constant 64 : index
      %swap3A_471 = tpu.vector_load %arg18[%swap3A_470] {strides = array<i32>} : memref<96xi32, #tpu.memory_space<vmem>>, vector<16xi32>,
      %swap3A_472 = vector.shape_cast %swap3A_471 : vector<16xi32> to vector<16xi32>
      %swap3A_473 = vector.shape_cast %get3A_469 : vector<16xi32> to vector<16xi32>
      tpu.vector_store %arg18[%swap3A_470], %swap3A_473 {strides = array<i32>} : memref<96xi32, #tpu.memory_space<vmem>>, vector<16xi32>,
      %get3A_474 = arith.constant 80 : index
      %get3A_475 = tpu.vector_load %arg15[%get3A_474] {strides = array<i32>} : memref<96xi32, #tpu.memory_space<vmem>>, vector<16xi32>,
      %get3A_476 = vector.shape_cast %get3A_475 : vector<16xi32> to vector<16xi32>
      %swap3A_477 = arith.constant 80 : index
      %swap3A_478 = tpu.vector_load %arg18[%swap3A_477] {strides = array<i32>} : memref<96xi32, #tpu.memory_space<vmem>>, vector<16xi32>,
      %swap3A_479 = vector.shape_cast %swap3A_478 : vector<16xi32> to vector<16xi32>
      %swap3A_480 = vector.shape_cast %get3A_476 : vector<16xi32> to vector<16xi32>
      tpu.vector_store %arg18[%swap3A_477], %swap3A_480 {strides = array<i32>} : memref<96xi32, #tpu.memory_space<vmem>>, vector<16xi32>,
      %dma_start3A_481 = arith.constant 0 : i32
      %dma_start3A_482 = arith.constant 0 : i32
      %dma_start3A_483 = tpu.memref_slice %arg7[%dma_start3A_481, %dma_start3A_482] : memref<10000x16xf32, #tpu.memory_space<vmem_shared>> -> memref<10000x16xf32, #tpu.memory_space<vmem_shared>>
      tpu.enqueue_indirect_dma source(%arg20 : memref<96x16xf32, #tpu.memory_space<vmem>>) target(%dma_start3A_483 : memref<10000x16xf32, #tpu.memory_space<vmem_shared>>) offsets(%arg18 : memref<96xi32, #tpu.memory_space<vmem>>) semaphore(%arg29 : memref<!tpu.dma_semaphore, #tpu.memory_space<semaphore_mem>>) {add = true}
      %mul3A_484 = arith.constant 3 : i32
      %mul3A_485 = arith.muli %mul3A_484, %scan3A_282 : i32
      %add3A_486 = arith.constant 2 : i32
      %add3A_487 = arith.addi %mul3A_485, %add3A_486 : i32
      %add3A_488 = arith.constant 2 : i32
      %add3A_489 = arith.addi %add3A_487, %add3A_488 : i32
      %mul3A_490 = arith.constant 96 : i32
      %mul3A_491 = arith.muli %add3A_489, %mul3A_490 : i32
      %add3A_492 = arith.addi %mul3A_2, %mul3A_491 : i32
      %multiple_of3A_493 = tpu.assume_multiple %add3A_492, 8 : i32
      %dma_start3A_494 = arith.constant 1 : i32
      %dma_start3A_495 = tpu.memref_slice %arg3[%dma_start3A_494, %multiple_of3A_493] : memref<2x320000xi32, #tpu.memory_space<hbm>> -> memref<1x96xi32, #tpu.memory_space<hbm>>
      %dma_start3A_496 = tpu.memref_squeeze %dma_start3A_495 : memref<1x96xi32, #tpu.memory_space<hbm>> -> memref<96xi32, #tpu.memory_space<hbm>>
      %dma_start3A_497 = tpu.memref_slice %arg3[%dma_start3A_494, %multiple_of3A_493] : memref<2x320000xi32, #tpu.memory_space<hbm>> -> memref<1x96xi32, #tpu.memory_space<hbm>>
      %dma_start3A_498 = tpu.memref_squeeze %dma_start3A_497 : memref<1x96xi32, #tpu.memory_space<hbm>> -> memref<96xi32, #tpu.memory_space<hbm>>
      tpu.enqueue_dma source(%dma_start3A_498 : memref<96xi32, #tpu.memory_space<hbm>>) target(%arg15 : memref<96xi32, #tpu.memory_space<vmem>>) target_semaphore(%arg32 : memref<!tpu.dma_semaphore, #tpu.memory_space<semaphore_mem>>)
      %mul3A_499 = arith.constant 96 : i32
      %mul3A_500 = arith.muli %add3A_487, %mul3A_499 : i32
      %add3A_501 = arith.addi %mul3A_2, %mul3A_500 : i32
      %multiple_of3A_502 = tpu.assume_multiple %add3A_501, 8 : i32
      %dma_wait3A_503 = arith.constant 1 : i32
      %dma_wait3A_504 = tpu.memref_slice %arg3[%dma_wait3A_503, %multiple_of3A_502] : memref<2x320000xi32, #tpu.memory_space<hbm>> -> memref<1x96xi32, #tpu.memory_space<hbm>>
      %dma_wait3A_505 = tpu.memref_squeeze %dma_wait3A_504 : memref<1x96xi32, #tpu.memory_space<hbm>> -> memref<96xi32, #tpu.memory_space<hbm>>
      %dma_wait3A_506 = tpu.memref_slice %arg3[%dma_wait3A_503, %multiple_of3A_502] : memref<2x320000xi32, #tpu.memory_space<hbm>> -> memref<1x96xi32, #tpu.memory_space<hbm>>
      %dma_wait3A_507 = tpu.memref_squeeze %dma_wait3A_506 : memref<1x96xi32, #tpu.memory_space<hbm>> -> memref<96xi32, #tpu.memory_space<hbm>>
      tpu.wait_dma2 semaphore(%arg33 : memref<!tpu.dma_semaphore, #tpu.memory_space<semaphore_mem>>) src(%dma_wait3A_507 : memref<96xi32, #tpu.memory_space<hbm>>) dst(%arg16 : memref<96xi32, #tpu.memory_space<vmem>>)
      %add3A_508 = arith.constant 2 : i32
      %add3A_509 = arith.addi %add3A_487, %add3A_508 : i32
      %mul3A_510 = arith.constant 96 : i32
      %mul3A_511 = arith.muli %add3A_509, %mul3A_510 : i32
      %add3A_512 = arith.addi %mul3A_2, %mul3A_511 : i32
      %multiple_of3A_513 = tpu.assume_multiple %add3A_512, 8 : i32
      %dma_wait3A_514 = arith.constant 0 : i32
      %dma_wait3A_515 = tpu.memref_slice %arg3[%dma_wait3A_514, %multiple_of3A_513] : memref<2x320000xi32, #tpu.memory_space<hbm>> -> memref<1x96xi32, #tpu.memory_space<hbm>>
      %dma_wait3A_516 = tpu.memref_squeeze %dma_wait3A_515 : memref<1x96xi32, #tpu.memory_space<hbm>> -> memref<96xi32, #tpu.memory_space<hbm>>
      %dma_wait3A_517 = tpu.memref_slice %arg3[%dma_wait3A_514, %multiple_of3A_513] : memref<2x320000xi32, #tpu.memory_space<hbm>> -> memref<1x96xi32, #tpu.memory_space<hbm>>
      %dma_wait3A_518 = tpu.memref_squeeze %dma_wait3A_517 : memref<1x96xi32, #tpu.memory_space<hbm>> -> memref<96xi32, #tpu.memory_space<hbm>>
      tpu.wait_dma2 semaphore(%arg26 : memref<!tpu.dma_semaphore, #tpu.memory_space<semaphore_mem>>) src(%dma_wait3A_518 : memref<96xi32, #tpu.memory_space<hbm>>) dst(%arg12 : memref<96xi32, #tpu.memory_space<vmem>>)
      %dma_start3A_519 = arith.constant 0 : i32
      %dma_start3A_520 = arith.constant 0 : i32
      %dma_start3A_521 = tpu.memref_slice %arg2[%dma_start3A_519, %dma_start3A_520] : memref<10000x128xf32, #tpu.memory_space<hbm>> -> memref<10000x128xf32, #tpu.memory_space<hbm>>
      tpu.enqueue_indirect_dma source(%dma_start3A_521 : memref<10000x128xf32, #tpu.memory_space<hbm>>) target(%arg9 : memref<96x128xf32, #tpu.memory_space<vmem>>) offsets(%arg12 : memref<96xi32, #tpu.memory_space<vmem>>) semaphore(%arg23 : memref<!tpu.dma_semaphore, #tpu.memory_space<semaphore_mem>>)
      %dma_wait3A_522 = arith.constant 0 : i32
      %dma_wait3A_523 = arith.constant 0 : i32
      %dma_wait3A_524 = tpu.memref_slice %arg2[%dma_wait3A_522, %dma_wait3A_523] : memref<10000x128xf32, #tpu.memory_space<hbm>> -> memref<10000x128xf32, #tpu.memory_space<hbm>>
      tpu.wait_indirect_dma semaphore(%arg24 : memref<!tpu.dma_semaphore, #tpu.memory_space<semaphore_mem>>) src(%dma_wait3A_524 : memref<10000x128xf32, #tpu.memory_space<hbm>>) dst(%arg10 : memref<96x128xf32, #tpu.memory_space<vmem>>)
      %lt3A = arith.constant 33 : i32
      %lt3A_525 = arith.cmpi slt, %scan3A_282, %lt3A : i32
      %convert_element_type3A_526 = arith.extui %lt3A_525 : i1 to i32
      %cond3A_527 = arith.constant 0 : i32
      %cond3A_528 = arith.cmpi ne, %convert_element_type3A_526, %cond3A_527 : i32
      scf.if %cond3A_528 {
        %add3A_579 = arith.constant 3 : i32
        %add3A_580 = arith.addi %add3A_487, %add3A_579 : i32
        %mul3A_581 = arith.constant 96 : i32
        %mul3A_582 = arith.muli %add3A_580, %mul3A_581 : i32
        %add3A_583 = arith.addi %mul3A_2, %mul3A_582 : i32
        %multiple_of3A_584 = tpu.assume_multiple %add3A_583, 8 : i32
        %dma_start3A_585 = arith.constant 0 : i32
        %dma_start3A_586 = tpu.memref_slice %arg3[%dma_start3A_585, %multiple_of3A_584] : memref<2x320000xi32, #tpu.memory_space<hbm>> -> memref<1x96xi32, #tpu.memory_space<hbm>>
        %dma_start3A_587 = tpu.memref_squeeze %dma_start3A_586 : memref<1x96xi32, #tpu.memory_space<hbm>> -> memref<96xi32, #tpu.memory_space<hbm>>
        %dma_start3A_588 = tpu.memref_slice %arg3[%dma_start3A_585, %multiple_of3A_584] : memref<2x320000xi32, #tpu.memory_space<hbm>> -> memref<1x96xi32, #tpu.memory_space<hbm>>
        %dma_start3A_589 = tpu.memref_squeeze %dma_start3A_588 : memref<1x96xi32, #tpu.memory_space<hbm>> -> memref<96xi32, #tpu.memory_space<hbm>>
        tpu.enqueue_dma source(%dma_start3A_589 : memref<96xi32, #tpu.memory_space<hbm>>) target(%arg13 : memref<96xi32, #tpu.memory_space<vmem>>) target_semaphore(%arg27 : memref<!tpu.dma_semaphore, #tpu.memory_space<semaphore_mem>>)
      } else {
      }
      "tpu.region"() ({
        %run_scoped3A_579 = tpu.sem_alloc : memref<!tpu.dma_semaphore, #tpu.memory_space<semaphore_mem>>
        %dma_start3A_580 = arith.constant 0 : i32
        %dma_start3A_581 = arith.constant 0 : i32
        %dma_start3A_582 = tpu.memref_slice %arg6[%dma_start3A_580, %dma_start3A_581] : memref<10000x128xf32, #tpu.memory_space<vmem_shared>> -> memref<10000x128xf32, #tpu.memory_space<vmem_shared>>
        tpu.enqueue_indirect_dma source(%arg10 : memref<96x128xf32, #tpu.memory_space<vmem>>) target(%dma_start3A_582 : memref<10000x128xf32, #tpu.memory_space<vmem_shared>>) offsets(%arg16 : memref<96xi32, #tpu.memory_space<vmem>>) semaphore(%run_scoped3A_579 : memref<!tpu.dma_semaphore, #tpu.memory_space<semaphore_mem>>) {add = true}
        %dma_wait3A_583 = arith.constant 0 : i32
        %dma_wait3A_584 = arith.constant 0 : i32
        %dma_wait3A_585 = tpu.memref_slice %arg6[%dma_wait3A_583, %dma_wait3A_584] : memref<10000x128xf32, #tpu.memory_space<vmem_shared>> -> memref<10000x128xf32, #tpu.memory_space<vmem_shared>>
        tpu.wait_indirect_dma semaphore(%run_scoped3A_579 : memref<!tpu.dma_semaphore, #tpu.memory_space<semaphore_mem>>) src(%arg10 : memref<96x128xf32, #tpu.memory_space<vmem>>) dst(%dma_wait3A_585 : memref<10000x128xf32, #tpu.memory_space<vmem_shared>>)
        tpu.yield
      }) : () -> ()
      %gt3A_529 = arith.constant 0 : i32
      %gt3A_530 = arith.cmpi sgt, %scan3A_282, %gt3A_529 : i32
      %convert_element_type3A_531 = arith.extui %gt3A_530 : i1 to i32
      %cond3A_532 = arith.constant 0 : i32
      %cond3A_533 = arith.cmpi ne, %convert_element_type3A_531, %cond3A_532 : i32
      scf.if %cond3A_533 {
        %dma_wait3A_579 = arith.constant 0 : i32
        %dma_wait3A_580 = arith.constant 0 : i32
        %dma_wait3A_581 = tpu.memref_slice %arg7[%dma_wait3A_579, %dma_wait3A_580] : memref<10000x16xf32, #tpu.memory_space<vmem_shared>> -> memref<10000x16xf32, #tpu.memory_space<vmem_shared>>
        tpu.wait_indirect_dma semaphore(%arg30 : memref<!tpu.dma_semaphore, #tpu.memory_space<semaphore_mem>>) src(%arg20 : memref<96x16xf32, #tpu.memory_space<vmem>>) dst(%dma_wait3A_581 : memref<10000x16xf32, #tpu.memory_space<vmem_shared>>)
      } else {
      }
      %get3A_534 = arith.constant 0 : index
      %get3A_535 = tpu.vector_load %arg16[%get3A_534] {strides = array<i32>} : memref<96xi32, #tpu.memory_space<vmem>>, vector<16xi32>,
      %get3A_536 = vector.shape_cast %get3A_535 : vector<16xi32> to vector<16xi32>
      %swap3A_537 = arith.constant 0 : index
      %swap3A_538 = tpu.vector_load %arg19[%swap3A_537] {strides = array<i32>} : memref<96xi32, #tpu.memory_space<vmem>>, vector<16xi32>,
      %swap3A_539 = vector.shape_cast %swap3A_538 : vector<16xi32> to vector<16xi32>
      %swap3A_540 = vector.shape_cast %get3A_536 : vector<16xi32> to vector<16xi32>
      tpu.vector_store %arg19[%swap3A_537], %swap3A_540 {strides = array<i32>} : memref<96xi32, #tpu.memory_space<vmem>>, vector<16xi32>,
      %get3A_541 = arith.constant 16 : index
      %get3A_542 = tpu.vector_load %arg16[%get3A_541] {strides = array<i32>} : memref<96xi32, #tpu.memory_space<vmem>>, vector<16xi32>,
      %get3A_543 = vector.shape_cast %get3A_542 : vector<16xi32> to vector<16xi32>
      %swap3A_544 = arith.constant 16 : index
      %swap3A_545 = tpu.vector_load %arg19[%swap3A_544] {strides = array<i32>} : memref<96xi32, #tpu.memory_space<vmem>>, vector<16xi32>,
      %swap3A_546 = vector.shape_cast %swap3A_545 : vector<16xi32> to vector<16xi32>
      %swap3A_547 = vector.shape_cast %get3A_543 : vector<16xi32> to vector<16xi32>
      tpu.vector_store %arg19[%swap3A_544], %swap3A_547 {strides = array<i32>} : memref<96xi32, #tpu.memory_space<vmem>>, vector<16xi32>,
      %get3A_548 = arith.constant 32 : index
      %get3A_549 = tpu.vector_load %arg16[%get3A_548] {strides = array<i32>} : memref<96xi32, #tpu.memory_space<vmem>>, vector<16xi32>,
      %get3A_550 = vector.shape_cast %get3A_549 : vector<16xi32> to vector<16xi32>
      %swap3A_551 = arith.constant 32 : index
      %swap3A_552 = tpu.vector_load %arg19[%swap3A_551] {strides = array<i32>} : memref<96xi32, #tpu.memory_space<vmem>>, vector<16xi32>,
      %swap3A_553 = vector.shape_cast %swap3A_552 : vector<16xi32> to vector<16xi32>
      %swap3A_554 = vector.shape_cast %get3A_550 : vector<16xi32> to vector<16xi32>
      tpu.vector_store %arg19[%swap3A_551], %swap3A_554 {strides = array<i32>} : memref<96xi32, #tpu.memory_space<vmem>>, vector<16xi32>,
      %get3A_555 = arith.constant 48 : index
      %get3A_556 = tpu.vector_load %arg16[%get3A_555] {strides = array<i32>} : memref<96xi32, #tpu.memory_space<vmem>>, vector<16xi32>,
      %get3A_557 = vector.shape_cast %get3A_556 : vector<16xi32> to vector<16xi32>
      %swap3A_558 = arith.constant 48 : index
      %swap3A_559 = tpu.vector_load %arg19[%swap3A_558] {strides = array<i32>} : memref<96xi32, #tpu.memory_space<vmem>>, vector<16xi32>,
      %swap3A_560 = vector.shape_cast %swap3A_559 : vector<16xi32> to vector<16xi32>
      %swap3A_561 = vector.shape_cast %get3A_557 : vector<16xi32> to vector<16xi32>
      tpu.vector_store %arg19[%swap3A_558], %swap3A_561 {strides = array<i32>} : memref<96xi32, #tpu.memory_space<vmem>>, vector<16xi32>,
      %get3A_562 = arith.constant 64 : index
      %get3A_563 = tpu.vector_load %arg16[%get3A_562] {strides = array<i32>} : memref<96xi32, #tpu.memory_space<vmem>>, vector<16xi32>,
      %get3A_564 = vector.shape_cast %get3A_563 : vector<16xi32> to vector<16xi32>
      %swap3A_565 = arith.constant 64 : index
      %swap3A_566 = tpu.vector_load %arg19[%swap3A_565] {strides = array<i32>} : memref<96xi32, #tpu.memory_space<vmem>>, vector<16xi32>,
      %swap3A_567 = vector.shape_cast %swap3A_566 : vector<16xi32> to vector<16xi32>
      %swap3A_568 = vector.shape_cast %get3A_564 : vector<16xi32> to vector<16xi32>
      tpu.vector_store %arg19[%swap3A_565], %swap3A_568 {strides = array<i32>} : memref<96xi32, #tpu.memory_space<vmem>>, vector<16xi32>,
      %get3A_569 = arith.constant 80 : index
      %get3A_570 = tpu.vector_load %arg16[%get3A_569] {strides = array<i32>} : memref<96xi32, #tpu.memory_space<vmem>>, vector<16xi32>,
      %get3A_571 = vector.shape_cast %get3A_570 : vector<16xi32> to vector<16xi32>
      %swap3A_572 = arith.constant 80 : index
      %swap3A_573 = tpu.vector_load %arg19[%swap3A_572] {strides = array<i32>} : memref<96xi32, #tpu.memory_space<vmem>>, vector<16xi32>,
      %swap3A_574 = vector.shape_cast %swap3A_573 : vector<16xi32> to vector<16xi32>
      %swap3A_575 = vector.shape_cast %get3A_571 : vector<16xi32> to vector<16xi32>
      tpu.vector_store %arg19[%swap3A_572], %swap3A_575 {strides = array<i32>} : memref<96xi32, #tpu.memory_space<vmem>>, vector<16xi32>,
      %dma_start3A_576 = arith.constant 0 : i32
      %dma_start3A_577 = arith.constant 0 : i32
      %dma_start3A_578 = tpu.memref_slice %arg7[%dma_start3A_576, %dma_start3A_577] : memref<10000x16xf32, #tpu.memory_space<vmem_shared>> -> memref<10000x16xf32, #tpu.memory_space<vmem_shared>>
      tpu.enqueue_indirect_dma source(%arg20 : memref<96x16xf32, #tpu.memory_space<vmem>>) target(%dma_start3A_578 : memref<10000x16xf32, #tpu.memory_space<vmem_shared>>) offsets(%arg19 : memref<96xi32, #tpu.memory_space<vmem>>) semaphore(%arg30 : memref<!tpu.dma_semaphore, #tpu.memory_space<semaphore_mem>>) {add = true}
    }
    %scan3A_117 = arith.constant 34 : i32
    %add3A_118 = arith.constant 9792 : i32
    %add3A_119 = arith.addi %mul3A_2, %add3A_118 : i32
    %multiple_of3A_120 = tpu.assume_multiple %add3A_119, 8 : i32
    %dma_wait3A_121 = arith.constant 1 : i32
    %dma_wait3A_122 = tpu.memref_slice %arg3[%dma_wait3A_121, %multiple_of3A_120] : memref<2x320000xi32, #tpu.memory_space<hbm>> -> memref<1x96xi32, #tpu.memory_space<hbm>>
    %dma_wait3A_123 = tpu.memref_squeeze %dma_wait3A_122 : memref<1x96xi32, #tpu.memory_space<hbm>> -> memref<96xi32, #tpu.memory_space<hbm>>
    %dma_wait3A_124 = tpu.memref_slice %arg3[%dma_wait3A_121, %multiple_of3A_120] : memref<2x320000xi32, #tpu.memory_space<hbm>> -> memref<1x96xi32, #tpu.memory_space<hbm>>
    %dma_wait3A_125 = tpu.memref_squeeze %dma_wait3A_124 : memref<1x96xi32, #tpu.memory_space<hbm>> -> memref<96xi32, #tpu.memory_space<hbm>>
    tpu.wait_dma2 semaphore(%arg31 : memref<!tpu.dma_semaphore, #tpu.memory_space<semaphore_mem>>) src(%dma_wait3A_125 : memref<96xi32, #tpu.memory_space<hbm>>) dst(%arg14 : memref<96xi32, #tpu.memory_space<vmem>>)
    %dma_wait3A_126 = arith.constant 0 : i32
    %dma_wait3A_127 = arith.constant 0 : i32
    %dma_wait3A_128 = tpu.memref_slice %arg2[%dma_wait3A_126, %dma_wait3A_127] : memref<10000x128xf32, #tpu.memory_space<hbm>> -> memref<10000x128xf32, #tpu.memory_space<hbm>>
    tpu.wait_indirect_dma semaphore(%arg22 : memref<!tpu.dma_semaphore, #tpu.memory_space<semaphore_mem>>) src(%dma_wait3A_128 : memref<10000x128xf32, #tpu.memory_space<hbm>>) dst(%arg8 : memref<96x128xf32, #tpu.memory_space<vmem>>)
    "tpu.region"() ({
      %run_scoped3A_282 = tpu.sem_alloc : memref<!tpu.dma_semaphore, #tpu.memory_space<semaphore_mem>>
      %dma_start3A_283 = arith.constant 0 : i32
      %dma_start3A_284 = arith.constant 0 : i32
      %dma_start3A_285 = tpu.memref_slice %arg6[%dma_start3A_283, %dma_start3A_284] : memref<10000x128xf32, #tpu.memory_space<vmem_shared>> -> memref<10000x128xf32, #tpu.memory_space<vmem_shared>>
      tpu.enqueue_indirect_dma source(%arg8 : memref<96x128xf32, #tpu.memory_space<vmem>>) target(%dma_start3A_285 : memref<10000x128xf32, #tpu.memory_space<vmem_shared>>) offsets(%arg14 : memref<96xi32, #tpu.memory_space<vmem>>) semaphore(%run_scoped3A_282 : memref<!tpu.dma_semaphore, #tpu.memory_space<semaphore_mem>>) {add = true}
      %dma_wait3A_286 = arith.constant 0 : i32
      %dma_wait3A_287 = arith.constant 0 : i32
      %dma_wait3A_288 = tpu.memref_slice %arg6[%dma_wait3A_286, %dma_wait3A_287] : memref<10000x128xf32, #tpu.memory_space<vmem_shared>> -> memref<10000x128xf32, #tpu.memory_space<vmem_shared>>
      tpu.wait_indirect_dma semaphore(%run_scoped3A_282 : memref<!tpu.dma_semaphore, #tpu.memory_space<semaphore_mem>>) src(%arg8 : memref<96x128xf32, #tpu.memory_space<vmem>>) dst(%dma_wait3A_288 : memref<10000x128xf32, #tpu.memory_space<vmem_shared>>)
      tpu.yield
    }) : () -> ()
    %dma_wait3A_129 = arith.constant 0 : i32
    %dma_wait3A_130 = arith.constant 0 : i32
    %dma_wait3A_131 = tpu.memref_slice %arg7[%dma_wait3A_129, %dma_wait3A_130] : memref<10000x16xf32, #tpu.memory_space<vmem_shared>> -> memref<10000x16xf32, #tpu.memory_space<vmem_shared>>
    tpu.wait_indirect_dma semaphore(%arg28 : memref<!tpu.dma_semaphore, #tpu.memory_space<semaphore_mem>>) src(%arg20 : memref<96x16xf32, #tpu.memory_space<vmem>>) dst(%dma_wait3A_131 : memref<10000x16xf32, #tpu.memory_space<vmem_shared>>)
    %get3A = arith.constant 0 : index
    %get3A_132 = tpu.vector_load %arg14[%get3A] {strides = array<i32>} : memref<96xi32, #tpu.memory_space<vmem>>, vector<16xi32>,
    %get3A_133 = vector.shape_cast %get3A_132 : vector<16xi32> to vector<16xi32>
    %swap3A = arith.constant 0 : index
    %swap3A_134 = tpu.vector_load %arg17[%swap3A] {strides = array<i32>} : memref<96xi32, #tpu.memory_space<vmem>>, vector<16xi32>,
    %swap3A_135 = vector.shape_cast %swap3A_134 : vector<16xi32> to vector<16xi32>
    %swap3A_136 = vector.shape_cast %get3A_133 : vector<16xi32> to vector<16xi32>
    tpu.vector_store %arg17[%swap3A], %swap3A_136 {strides = array<i32>} : memref<96xi32, #tpu.memory_space<vmem>>, vector<16xi32>,
    %get3A_137 = arith.constant 16 : index
    %get3A_138 = tpu.vector_load %arg14[%get3A_137] {strides = array<i32>} : memref<96xi32, #tpu.memory_space<vmem>>, vector<16xi32>,
    %get3A_139 = vector.shape_cast %get3A_138 : vector<16xi32> to vector<16xi32>
    %swap3A_140 = arith.constant 16 : index
    %swap3A_141 = tpu.vector_load %arg17[%swap3A_140] {strides = array<i32>} : memref<96xi32, #tpu.memory_space<vmem>>, vector<16xi32>,
    %swap3A_142 = vector.shape_cast %swap3A_141 : vector<16xi32> to vector<16xi32>
    %swap3A_143 = vector.shape_cast %get3A_139 : vector<16xi32> to vector<16xi32>
    tpu.vector_store %arg17[%swap3A_140], %swap3A_143 {strides = array<i32>} : memref<96xi32, #tpu.memory_space<vmem>>, vector<16xi32>,
    %get3A_144 = arith.constant 32 : index
    %get3A_145 = tpu.vector_load %arg14[%get3A_144] {strides = array<i32>} : memref<96xi32, #tpu.memory_space<vmem>>, vector<16xi32>,
    %get3A_146 = vector.shape_cast %get3A_145 : vector<16xi32> to vector<16xi32>
    %swap3A_147 = arith.constant 32 : index
    %swap3A_148 = tpu.vector_load %arg17[%swap3A_147] {strides = array<i32>} : memref<96xi32, #tpu.memory_space<vmem>>, vector<16xi32>,
    %swap3A_149 = vector.shape_cast %swap3A_148 : vector<16xi32> to vector<16xi32>
    %swap3A_150 = vector.shape_cast %get3A_146 : vector<16xi32> to vector<16xi32>
    tpu.vector_store %arg17[%swap3A_147], %swap3A_150 {strides = array<i32>} : memref<96xi32, #tpu.memory_space<vmem>>, vector<16xi32>,
    %get3A_151 = arith.constant 48 : index
    %get3A_152 = tpu.vector_load %arg14[%get3A_151] {strides = array<i32>} : memref<96xi32, #tpu.memory_space<vmem>>, vector<16xi32>,
    %get3A_153 = vector.shape_cast %get3A_152 : vector<16xi32> to vector<16xi32>
    %swap3A_154 = arith.constant 48 : index
    %swap3A_155 = tpu.vector_load %arg17[%swap3A_154] {strides = array<i32>} : memref<96xi32, #tpu.memory_space<vmem>>, vector<16xi32>,
    %swap3A_156 = vector.shape_cast %swap3A_155 : vector<16xi32> to vector<16xi32>
    %swap3A_157 = vector.shape_cast %get3A_153 : vector<16xi32> to vector<16xi32>
    tpu.vector_store %arg17[%swap3A_154], %swap3A_157 {strides = array<i32>} : memref<96xi32, #tpu.memory_space<vmem>>, vector<16xi32>,
    %get3A_158 = arith.constant 64 : index
    %get3A_159 = tpu.vector_load %arg14[%get3A_158] {strides = array<i32>} : memref<96xi32, #tpu.memory_space<vmem>>, vector<16xi32>,
    %get3A_160 = vector.shape_cast %get3A_159 : vector<16xi32> to vector<16xi32>
    %swap3A_161 = arith.constant 64 : index
    %swap3A_162 = tpu.vector_load %arg17[%swap3A_161] {strides = array<i32>} : memref<96xi32, #tpu.memory_space<vmem>>, vector<16xi32>,
    %swap3A_163 = vector.shape_cast %swap3A_162 : vector<16xi32> to vector<16xi32>
    %swap3A_164 = vector.shape_cast %get3A_160 : vector<16xi32> to vector<16xi32>
    tpu.vector_store %arg17[%swap3A_161], %swap3A_164 {strides = array<i32>} : memref<96xi32, #tpu.memory_space<vmem>>, vector<16xi32>,
    %get3A_165 = arith.constant 80 : index
    %get3A_166 = tpu.vector_load %arg14[%get3A_165] {strides = array<i32>} : memref<96xi32, #tpu.memory_space<vmem>>, vector<16xi32>,
    %get3A_167 = vector.shape_cast %get3A_166 : vector<16xi32> to vector<16xi32>
    %swap3A_168 = arith.constant 80 : index
    %swap3A_169 = tpu.vector_load %arg17[%swap3A_168] {strides = array<i32>} : memref<96xi32, #tpu.memory_space<vmem>>, vector<16xi32>,
    %swap3A_170 = vector.shape_cast %swap3A_169 : vector<16xi32> to vector<16xi32>
    %swap3A_171 = vector.shape_cast %get3A_167 : vector<16xi32> to vector<16xi32>
    tpu.vector_store %arg17[%swap3A_168], %swap3A_171 {strides = array<i32>} : memref<96xi32, #tpu.memory_space<vmem>>, vector<16xi32>,
    %dma_start3A_172 = arith.constant 0 : i32
    %dma_start3A_173 = arith.constant 0 : i32
    %dma_start3A_174 = tpu.memref_slice %arg7[%dma_start3A_172, %dma_start3A_173] : memref<10000x16xf32, #tpu.memory_space<vmem_shared>> -> memref<10000x16xf32, #tpu.memory_space<vmem_shared>>
    tpu.enqueue_indirect_dma source(%arg20 : memref<96x16xf32, #tpu.memory_space<vmem>>) target(%dma_start3A_174 : memref<10000x16xf32, #tpu.memory_space<vmem_shared>>) offsets(%arg17 : memref<96xi32, #tpu.memory_space<vmem>>) semaphore(%arg28 : memref<!tpu.dma_semaphore, #tpu.memory_space<semaphore_mem>>) {add = true}
    %add3A_175 = arith.constant 9888 : i32
    %add3A_176 = arith.addi %mul3A_2, %add3A_175 : i32
    %multiple_of3A_177 = tpu.assume_multiple %add3A_176, 8 : i32
    %dma_wait3A_178 = arith.constant 1 : i32
    %dma_wait3A_179 = tpu.memref_slice %arg3[%dma_wait3A_178, %multiple_of3A_177] : memref<2x320000xi32, #tpu.memory_space<hbm>> -> memref<1x96xi32, #tpu.memory_space<hbm>>
    %dma_wait3A_180 = tpu.memref_squeeze %dma_wait3A_179 : memref<1x96xi32, #tpu.memory_space<hbm>> -> memref<96xi32, #tpu.memory_space<hbm>>
    %dma_wait3A_181 = tpu.memref_slice %arg3[%dma_wait3A_178, %multiple_of3A_177] : memref<2x320000xi32, #tpu.memory_space<hbm>> -> memref<1x96xi32, #tpu.memory_space<hbm>>
    %dma_wait3A_182 = tpu.memref_squeeze %dma_wait3A_181 : memref<1x96xi32, #tpu.memory_space<hbm>> -> memref<96xi32, #tpu.memory_space<hbm>>
    tpu.wait_dma2 semaphore(%arg32 : memref<!tpu.dma_semaphore, #tpu.memory_space<semaphore_mem>>) src(%dma_wait3A_182 : memref<96xi32, #tpu.memory_space<hbm>>) dst(%arg15 : memref<96xi32, #tpu.memory_space<vmem>>)
    %dma_wait3A_183 = arith.constant 0 : i32
    %dma_wait3A_184 = arith.constant 0 : i32
    %dma_wait3A_185 = tpu.memref_slice %arg2[%dma_wait3A_183, %dma_wait3A_184] : memref<10000x128xf32, #tpu.memory_space<hbm>> -> memref<10000x128xf32, #tpu.memory_space<hbm>>
    tpu.wait_indirect_dma semaphore(%arg23 : memref<!tpu.dma_semaphore, #tpu.memory_space<semaphore_mem>>) src(%dma_wait3A_185 : memref<10000x128xf32, #tpu.memory_space<hbm>>) dst(%arg9 : memref<96x128xf32, #tpu.memory_space<vmem>>)
    "tpu.region"() ({
      %run_scoped3A_282 = tpu.sem_alloc : memref<!tpu.dma_semaphore, #tpu.memory_space<semaphore_mem>>
      %dma_start3A_283 = arith.constant 0 : i32
      %dma_start3A_284 = arith.constant 0 : i32
      %dma_start3A_285 = tpu.memref_slice %arg6[%dma_start3A_283, %dma_start3A_284] : memref<10000x128xf32, #tpu.memory_space<vmem_shared>> -> memref<10000x128xf32, #tpu.memory_space<vmem_shared>>
      tpu.enqueue_indirect_dma source(%arg9 : memref<96x128xf32, #tpu.memory_space<vmem>>) target(%dma_start3A_285 : memref<10000x128xf32, #tpu.memory_space<vmem_shared>>) offsets(%arg15 : memref<96xi32, #tpu.memory_space<vmem>>) semaphore(%run_scoped3A_282 : memref<!tpu.dma_semaphore, #tpu.memory_space<semaphore_mem>>) {add = true}
      %dma_wait3A_286 = arith.constant 0 : i32
      %dma_wait3A_287 = arith.constant 0 : i32
      %dma_wait3A_288 = tpu.memref_slice %arg6[%dma_wait3A_286, %dma_wait3A_287] : memref<10000x128xf32, #tpu.memory_space<vmem_shared>> -> memref<10000x128xf32, #tpu.memory_space<vmem_shared>>
      tpu.wait_indirect_dma semaphore(%run_scoped3A_282 : memref<!tpu.dma_semaphore, #tpu.memory_space<semaphore_mem>>) src(%arg9 : memref<96x128xf32, #tpu.memory_space<vmem>>) dst(%dma_wait3A_288 : memref<10000x128xf32, #tpu.memory_space<vmem_shared>>)
      tpu.yield
    }) : () -> ()
    %dma_wait3A_186 = arith.constant 0 : i32
    %dma_wait3A_187 = arith.constant 0 : i32
    %dma_wait3A_188 = tpu.memref_slice %arg7[%dma_wait3A_186, %dma_wait3A_187] : memref<10000x16xf32, #tpu.memory_space<vmem_shared>> -> memref<10000x16xf32, #tpu.memory_space<vmem_shared>>
    tpu.wait_indirect_dma semaphore(%arg29 : memref<!tpu.dma_semaphore, #tpu.memory_space<semaphore_mem>>) src(%arg20 : memref<96x16xf32, #tpu.memory_space<vmem>>) dst(%dma_wait3A_188 : memref<10000x16xf32, #tpu.memory_space<vmem_shared>>)
    %get3A_189 = arith.constant 0 : index
    %get3A_190 = tpu.vector_load %arg15[%get3A_189] {strides = array<i32>} : memref<96xi32, #tpu.memory_space<vmem>>, vector<16xi32>,
    %get3A_191 = vector.shape_cast %get3A_190 : vector<16xi32> to vector<16xi32>
    %swap3A_192 = arith.constant 0 : index
    %swap3A_193 = tpu.vector_load %arg18[%swap3A_192] {strides = array<i32>} : memref<96xi32, #tpu.memory_space<vmem>>, vector<16xi32>,
    %swap3A_194 = vector.shape_cast %swap3A_193 : vector<16xi32> to vector<16xi32>
    %swap3A_195 = vector.shape_cast %get3A_191 : vector<16xi32> to vector<16xi32>
    tpu.vector_store %arg18[%swap3A_192], %swap3A_195 {strides = array<i32>} : memref<96xi32, #tpu.memory_space<vmem>>, vector<16xi32>,
    %get3A_196 = arith.constant 16 : index
    %get3A_197 = tpu.vector_load %arg15[%get3A_196] {strides = array<i32>} : memref<96xi32, #tpu.memory_space<vmem>>, vector<16xi32>,
    %get3A_198 = vector.shape_cast %get3A_197 : vector<16xi32> to vector<16xi32>
    %swap3A_199 = arith.constant 16 : index
    %swap3A_200 = tpu.vector_load %arg18[%swap3A_199] {strides = array<i32>} : memref<96xi32, #tpu.memory_space<vmem>>, vector<16xi32>,
    %swap3A_201 = vector.shape_cast %swap3A_200 : vector<16xi32> to vector<16xi32>
    %swap3A_202 = vector.shape_cast %get3A_198 : vector<16xi32> to vector<16xi32>
    tpu.vector_store %arg18[%swap3A_199], %swap3A_202 {strides = array<i32>} : memref<96xi32, #tpu.memory_space<vmem>>, vector<16xi32>,
    %get3A_203 = arith.constant 32 : index
    %get3A_204 = tpu.vector_load %arg15[%get3A_203] {strides = array<i32>} : memref<96xi32, #tpu.memory_space<vmem>>, vector<16xi32>,
    %get3A_205 = vector.shape_cast %get3A_204 : vector<16xi32> to vector<16xi32>
    %swap3A_206 = arith.constant 32 : index
    %swap3A_207 = tpu.vector_load %arg18[%swap3A_206] {strides = array<i32>} : memref<96xi32, #tpu.memory_space<vmem>>, vector<16xi32>,
    %swap3A_208 = vector.shape_cast %swap3A_207 : vector<16xi32> to vector<16xi32>
    %swap3A_209 = vector.shape_cast %get3A_205 : vector<16xi32> to vector<16xi32>
    tpu.vector_store %arg18[%swap3A_206], %swap3A_209 {strides = array<i32>} : memref<96xi32, #tpu.memory_space<vmem>>, vector<16xi32>,
    %get3A_210 = arith.constant 48 : index
    %get3A_211 = tpu.vector_load %arg15[%get3A_210] {strides = array<i32>} : memref<96xi32, #tpu.memory_space<vmem>>, vector<16xi32>,
    %get3A_212 = vector.shape_cast %get3A_211 : vector<16xi32> to vector<16xi32>
    %swap3A_213 = arith.constant 48 : index
    %swap3A_214 = tpu.vector_load %arg18[%swap3A_213] {strides = array<i32>} : memref<96xi32, #tpu.memory_space<vmem>>, vector<16xi32>,
    %swap3A_215 = vector.shape_cast %swap3A_214 : vector<16xi32> to vector<16xi32>
    %swap3A_216 = vector.shape_cast %get3A_212 : vector<16xi32> to vector<16xi32>
    tpu.vector_store %arg18[%swap3A_213], %swap3A_216 {strides = array<i32>} : memref<96xi32, #tpu.memory_space<vmem>>, vector<16xi32>,
    %get3A_217 = arith.constant 64 : index
    %get3A_218 = tpu.vector_load %arg15[%get3A_217] {strides = array<i32>} : memref<96xi32, #tpu.memory_space<vmem>>, vector<16xi32>,
    %get3A_219 = vector.shape_cast %get3A_218 : vector<16xi32> to vector<16xi32>
    %swap3A_220 = arith.constant 64 : index
    %swap3A_221 = tpu.vector_load %arg18[%swap3A_220] {strides = array<i32>} : memref<96xi32, #tpu.memory_space<vmem>>, vector<16xi32>,
    %swap3A_222 = vector.shape_cast %swap3A_221 : vector<16xi32> to vector<16xi32>
    %swap3A_223 = vector.shape_cast %get3A_219 : vector<16xi32> to vector<16xi32>
    tpu.vector_store %arg18[%swap3A_220], %swap3A_223 {strides = array<i32>} : memref<96xi32, #tpu.memory_space<vmem>>, vector<16xi32>,
    %get3A_224 = arith.constant 80 : index
    %get3A_225 = tpu.vector_load %arg15[%get3A_224] {strides = array<i32>} : memref<96xi32, #tpu.memory_space<vmem>>, vector<16xi32>,
    %get3A_226 = vector.shape_cast %get3A_225 : vector<16xi32> to vector<16xi32>
    %swap3A_227 = arith.constant 80 : index
    %swap3A_228 = tpu.vector_load %arg18[%swap3A_227] {strides = array<i32>} : memref<96xi32, #tpu.memory_space<vmem>>, vector<16xi32>,
    %swap3A_229 = vector.shape_cast %swap3A_228 : vector<16xi32> to vector<16xi32>
    %swap3A_230 = vector.shape_cast %get3A_226 : vector<16xi32> to vector<16xi32>
    tpu.vector_store %arg18[%swap3A_227], %swap3A_230 {strides = array<i32>} : memref<96xi32, #tpu.memory_space<vmem>>, vector<16xi32>,
    %dma_start3A_231 = arith.constant 0 : i32
    %dma_start3A_232 = arith.constant 0 : i32
    %dma_start3A_233 = tpu.memref_slice %arg7[%dma_start3A_231, %dma_start3A_232] : memref<10000x16xf32, #tpu.memory_space<vmem_shared>> -> memref<10000x16xf32, #tpu.memory_space<vmem_shared>>
    tpu.enqueue_indirect_dma source(%arg20 : memref<96x16xf32, #tpu.memory_space<vmem>>) target(%dma_start3A_233 : memref<10000x16xf32, #tpu.memory_space<vmem_shared>>) offsets(%arg18 : memref<96xi32, #tpu.memory_space<vmem>>) semaphore(%arg29 : memref<!tpu.dma_semaphore, #tpu.memory_space<semaphore_mem>>) {add = true}
    %dma_wait3A_234 = arith.constant 0 : i32
    %dma_wait3A_235 = arith.constant 0 : i32
    %dma_wait3A_236 = tpu.memref_slice %arg7[%dma_wait3A_234, %dma_wait3A_235] : memref<10000x16xf32, #tpu.memory_space<vmem_shared>> -> memref<10000x16xf32, #tpu.memory_space<vmem_shared>>
    tpu.wait_indirect_dma semaphore(%arg30 : memref<!tpu.dma_semaphore, #tpu.memory_space<semaphore_mem>>) src(%arg20 : memref<96x16xf32, #tpu.memory_space<vmem>>) dst(%dma_wait3A_236 : memref<10000x16xf32, #tpu.memory_space<vmem_shared>>)
    %dma_wait3A_237 = arith.constant 0 : i32
    %dma_wait3A_238 = arith.constant 0 : i32
    %dma_wait3A_239 = tpu.memref_slice %arg7[%dma_wait3A_237, %dma_wait3A_238] : memref<10000x16xf32, #tpu.memory_space<vmem_shared>> -> memref<10000x16xf32, #tpu.memory_space<vmem_shared>>
    tpu.wait_indirect_dma semaphore(%arg28 : memref<!tpu.dma_semaphore, #tpu.memory_space<semaphore_mem>>) src(%arg20 : memref<96x16xf32, #tpu.memory_space<vmem>>) dst(%dma_wait3A_239 : memref<10000x16xf32, #tpu.memory_space<vmem_shared>>)
    %dma_wait3A_240 = arith.constant 0 : i32
    %dma_wait3A_241 = arith.constant 0 : i32
    %dma_wait3A_242 = tpu.memref_slice %arg7[%dma_wait3A_240, %dma_wait3A_241] : memref<10000x16xf32, #tpu.memory_space<vmem_shared>> -> memref<10000x16xf32, #tpu.memory_space<vmem_shared>>
    tpu.wait_indirect_dma semaphore(%arg29 : memref<!tpu.dma_semaphore, #tpu.memory_space<semaphore_mem>>) src(%arg20 : memref<96x16xf32, #tpu.memory_space<vmem>>) dst(%dma_wait3A_242 : memref<10000x16xf32, #tpu.memory_space<vmem_shared>>)
    %scan3A_243 = arith.constant 0 : i32
    %scan3A_244 = arith.constant 16 : i32
    %scan3A_245 = arith.constant 80 : i32
    %scan3A_246 = arith.addi %scan3A_244, %scan3A_245 : i32
    %scan3A_247 = arith.constant 1 : i32
    scf.for %scan3A_282 = %scan3A_244 to %scan3A_246 step %scan3A_247  : i32 {
      %swap3A_283 = arith.index_cast %scan3A_282 : i32 to index
      %swap3A_284 = arith.constant 0 : index
      %swap3A_285 = tpu.vector_load %arg8[%swap3A_283, %swap3A_284] {strides = array<i32>} : memref<96x128xf32, #tpu.memory_space<vmem>>, vector<1x16xf32>,
      %swap3A_286 = vector.shape_cast %swap3A_285 : vector<1x16xf32> to vector<16xf32>
      %swap3A_287 = vector.shape_cast %broadcast_in_dim3A_41 : vector<16xf32> to vector<1x16xf32>
      tpu.vector_store %arg8[%swap3A_283, %swap3A_284], %swap3A_287 {strides = array<i32>} : memref<96x128xf32, #tpu.memory_space<vmem>>, vector<1x16xf32>,
      %swap3A_288 = arith.index_cast %scan3A_282 : i32 to index
      %swap3A_289 = arith.constant 16 : index
      %swap3A_290 = tpu.vector_load %arg8[%swap3A_288, %swap3A_289] {strides = array<i32>} : memref<96x128xf32, #tpu.memory_space<vmem>>, vector<1x16xf32>,
      %swap3A_291 = vector.shape_cast %swap3A_290 : vector<1x16xf32> to vector<16xf32>
      %swap3A_292 = vector.shape_cast %broadcast_in_dim3A_41 : vector<16xf32> to vector<1x16xf32>
      tpu.vector_store %arg8[%swap3A_288, %swap3A_289], %swap3A_292 {strides = array<i32>} : memref<96x128xf32, #tpu.memory_space<vmem>>, vector<1x16xf32>,
      %swap3A_293 = arith.index_cast %scan3A_282 : i32 to index
      %swap3A_294 = arith.constant 32 : index
      %swap3A_295 = tpu.vector_load %arg8[%swap3A_293, %swap3A_294] {strides = array<i32>} : memref<96x128xf32, #tpu.memory_space<vmem>>, vector<1x16xf32>,
      %swap3A_296 = vector.shape_cast %swap3A_295 : vector<1x16xf32> to vector<16xf32>
      %swap3A_297 = vector.shape_cast %broadcast_in_dim3A_41 : vector<16xf32> to vector<1x16xf32>
      tpu.vector_store %arg8[%swap3A_293, %swap3A_294], %swap3A_297 {strides = array<i32>} : memref<96x128xf32, #tpu.memory_space<vmem>>, vector<1x16xf32>,
      %swap3A_298 = arith.index_cast %scan3A_282 : i32 to index
      %swap3A_299 = arith.constant 48 : index
      %swap3A_300 = tpu.vector_load %arg8[%swap3A_298, %swap3A_299] {strides = array<i32>} : memref<96x128xf32, #tpu.memory_space<vmem>>, vector<1x16xf32>,
      %swap3A_301 = vector.shape_cast %swap3A_300 : vector<1x16xf32> to vector<16xf32>
      %swap3A_302 = vector.shape_cast %broadcast_in_dim3A_41 : vector<16xf32> to vector<1x16xf32>
      tpu.vector_store %arg8[%swap3A_298, %swap3A_299], %swap3A_302 {strides = array<i32>} : memref<96x128xf32, #tpu.memory_space<vmem>>, vector<1x16xf32>,
      %swap3A_303 = arith.index_cast %scan3A_282 : i32 to index
      %swap3A_304 = arith.constant 64 : index
      %swap3A_305 = tpu.vector_load %arg8[%swap3A_303, %swap3A_304] {strides = array<i32>} : memref<96x128xf32, #tpu.memory_space<vmem>>, vector<1x16xf32>,
      %swap3A_306 = vector.shape_cast %swap3A_305 : vector<1x16xf32> to vector<16xf32>
      %swap3A_307 = vector.shape_cast %broadcast_in_dim3A_41 : vector<16xf32> to vector<1x16xf32>
      tpu.vector_store %arg8[%swap3A_303, %swap3A_304], %swap3A_307 {strides = array<i32>} : memref<96x128xf32, #tpu.memory_space<vmem>>, vector<1x16xf32>,
      %swap3A_308 = arith.index_cast %scan3A_282 : i32 to index
      %swap3A_309 = arith.constant 80 : index
      %swap3A_310 = tpu.vector_load %arg8[%swap3A_308, %swap3A_309] {strides = array<i32>} : memref<96x128xf32, #tpu.memory_space<vmem>>, vector<1x16xf32>,
      %swap3A_311 = vector.shape_cast %swap3A_310 : vector<1x16xf32> to vector<16xf32>
      %swap3A_312 = vector.shape_cast %broadcast_in_dim3A_41 : vector<16xf32> to vector<1x16xf32>
      tpu.vector_store %arg8[%swap3A_308, %swap3A_309], %swap3A_312 {strides = array<i32>} : memref<96x128xf32, #tpu.memory_space<vmem>>, vector<1x16xf32>,
      %swap3A_313 = arith.index_cast %scan3A_282 : i32 to index
      %swap3A_314 = arith.constant 96 : index
      %swap3A_315 = tpu.vector_load %arg8[%swap3A_313, %swap3A_314] {strides = array<i32>} : memref<96x128xf32, #tpu.memory_space<vmem>>, vector<1x16xf32>,
      %swap3A_316 = vector.shape_cast %swap3A_315 : vector<1x16xf32> to vector<16xf32>
      %swap3A_317 = vector.shape_cast %broadcast_in_dim3A_41 : vector<16xf32> to vector<1x16xf32>
      tpu.vector_store %arg8[%swap3A_313, %swap3A_314], %swap3A_317 {strides = array<i32>} : memref<96x128xf32, #tpu.memory_space<vmem>>, vector<1x16xf32>,
      %swap3A_318 = arith.index_cast %scan3A_282 : i32 to index
      %swap3A_319 = arith.constant 112 : index
      %swap3A_320 = tpu.vector_load %arg8[%swap3A_318, %swap3A_319] {strides = array<i32>} : memref<96x128xf32, #tpu.memory_space<vmem>>, vector<1x16xf32>,
      %swap3A_321 = vector.shape_cast %swap3A_320 : vector<1x16xf32> to vector<16xf32>
      %swap3A_322 = vector.shape_cast %broadcast_in_dim3A_41 : vector<16xf32> to vector<1x16xf32>
      tpu.vector_store %arg8[%swap3A_318, %swap3A_319], %swap3A_322 {strides = array<i32>} : memref<96x128xf32, #tpu.memory_space<vmem>>, vector<1x16xf32>,
      %swap3A_323 = arith.index_cast %scan3A_282 : i32 to index
      %swap3A_324 = arith.constant 0 : index
      %swap3A_325 = tpu.vector_load %arg20[%swap3A_323, %swap3A_324] {strides = array<i32>} : memref<96x16xf32, #tpu.memory_space<vmem>>, vector<1x16xf32>,
      %swap3A_326 = vector.shape_cast %swap3A_325 : vector<1x16xf32> to vector<16xf32>
      %swap3A_327 = vector.shape_cast %broadcast_in_dim3A_41 : vector<16xf32> to vector<1x16xf32>
      tpu.vector_store %arg20[%swap3A_323, %swap3A_324], %swap3A_327 {strides = array<i32>} : memref<96x16xf32, #tpu.memory_space<vmem>>, vector<1x16xf32>,
    }
    %scan3A_248 = arith.constant 80 : i32
    %add3A_249 = arith.constant 9984 : i32
    %add3A_250 = arith.addi %mul3A_2, %add3A_249 : i32
    %multiple_of3A_251 = tpu.assume_multiple %add3A_250, 8 : i32
    %run_scoped3A = arith.constant 0 : i32
    "tpu.region"() ({
      %run_scoped3A_282 = tpu.sem_alloc : memref<!tpu.dma_semaphore, #tpu.memory_space<semaphore_mem>>
      %dma_start3A_283 = arith.constant 0 : i32
      %dma_start3A_284 = tpu.memref_slice %arg11[%dma_start3A_283] : memref<96xi32, #tpu.memory_space<vmem>> -> memref<16xi32, #tpu.memory_space<vmem>>
      %dma_start3A_285 = tpu.memref_slice %arg3[%run_scoped3A, %multiple_of3A_251] : memref<2x320000xi32, #tpu.memory_space<hbm>> -> memref<1x16xi32, #tpu.memory_space<hbm>>
      %dma_start3A_286 = tpu.memref_squeeze %dma_start3A_285 : memref<1x16xi32, #tpu.memory_space<hbm>> -> memref<16xi32, #tpu.memory_space<hbm>>
      %dma_start3A_287 = arith.constant 0 : i32
      %dma_start3A_288 = tpu.memref_slice %arg11[%dma_start3A_287] : memref<96xi32, #tpu.memory_space<vmem>> -> memref<16xi32, #tpu.memory_space<vmem>>
      %dma_start3A_289 = tpu.memref_slice %arg3[%run_scoped3A, %multiple_of3A_251] : memref<2x320000xi32, #tpu.memory_space<hbm>> -> memref<1x16xi32, #tpu.memory_space<hbm>>
      %dma_start3A_290 = tpu.memref_squeeze %dma_start3A_289 : memref<1x16xi32, #tpu.memory_space<hbm>> -> memref<16xi32, #tpu.memory_space<hbm>>
      tpu.enqueue_dma source(%dma_start3A_290 : memref<16xi32, #tpu.memory_space<hbm>>) target(%dma_start3A_288 : memref<16xi32, #tpu.memory_space<vmem>>) target_semaphore(%run_scoped3A_282 : memref<!tpu.dma_semaphore, #tpu.memory_space<semaphore_mem>>)
      %dma_wait3A_291 = arith.constant 0 : i32
      %dma_wait3A_292 = tpu.memref_slice %arg11[%dma_wait3A_291] : memref<96xi32, #tpu.memory_space<vmem>> -> memref<16xi32, #tpu.memory_space<vmem>>
      %dma_wait3A_293 = tpu.memref_slice %arg3[%run_scoped3A, %multiple_of3A_251] : memref<2x320000xi32, #tpu.memory_space<hbm>> -> memref<1x16xi32, #tpu.memory_space<hbm>>
      %dma_wait3A_294 = tpu.memref_squeeze %dma_wait3A_293 : memref<1x16xi32, #tpu.memory_space<hbm>> -> memref<16xi32, #tpu.memory_space<hbm>>
      %dma_wait3A_295 = arith.constant 0 : i32
      %dma_wait3A_296 = tpu.memref_slice %arg11[%dma_wait3A_295] : memref<96xi32, #tpu.memory_space<vmem>> -> memref<16xi32, #tpu.memory_space<vmem>>
      %dma_wait3A_297 = tpu.memref_slice %arg3[%run_scoped3A, %multiple_of3A_251] : memref<2x320000xi32, #tpu.memory_space<hbm>> -> memref<1x16xi32, #tpu.memory_space<hbm>>
      %dma_wait3A_298 = tpu.memref_squeeze %dma_wait3A_297 : memref<1x16xi32, #tpu.memory_space<hbm>> -> memref<16xi32, #tpu.memory_space<hbm>>
      tpu.wait_dma2 semaphore(%run_scoped3A_282 : memref<!tpu.dma_semaphore, #tpu.memory_space<semaphore_mem>>) src(%dma_wait3A_298 : memref<16xi32, #tpu.memory_space<hbm>>) dst(%dma_wait3A_296 : memref<16xi32, #tpu.memory_space<vmem>>)
      tpu.yield
    }) : () -> ()
    %run_scoped3A_252 = arith.constant 1 : i32
    "tpu.region"() ({
      %run_scoped3A_282 = tpu.sem_alloc : memref<!tpu.dma_semaphore, #tpu.memory_space<semaphore_mem>>
      %dma_start3A_283 = arith.constant 0 : i32
      %dma_start3A_284 = tpu.memref_slice %arg14[%dma_start3A_283] : memref<96xi32, #tpu.memory_space<vmem>> -> memref<16xi32, #tpu.memory_space<vmem>>
      %dma_start3A_285 = tpu.memref_slice %arg3[%run_scoped3A_252, %multiple_of3A_251] : memref<2x320000xi32, #tpu.memory_space<hbm>> -> memref<1x16xi32, #tpu.memory_space<hbm>>
      %dma_start3A_286 = tpu.memref_squeeze %dma_start3A_285 : memref<1x16xi32, #tpu.memory_space<hbm>> -> memref<16xi32, #tpu.memory_space<hbm>>
      %dma_start3A_287 = arith.constant 0 : i32
      %dma_start3A_288 = tpu.memref_slice %arg14[%dma_start3A_287] : memref<96xi32, #tpu.memory_space<vmem>> -> memref<16xi32, #tpu.memory_space<vmem>>
      %dma_start3A_289 = tpu.memref_slice %arg3[%run_scoped3A_252, %multiple_of3A_251] : memref<2x320000xi32, #tpu.memory_space<hbm>> -> memref<1x16xi32, #tpu.memory_space<hbm>>
      %dma_start3A_290 = tpu.memref_squeeze %dma_start3A_289 : memref<1x16xi32, #tpu.memory_space<hbm>> -> memref<16xi32, #tpu.memory_space<hbm>>
      tpu.enqueue_dma source(%dma_start3A_290 : memref<16xi32, #tpu.memory_space<hbm>>) target(%dma_start3A_288 : memref<16xi32, #tpu.memory_space<vmem>>) target_semaphore(%run_scoped3A_282 : memref<!tpu.dma_semaphore, #tpu.memory_space<semaphore_mem>>)
      %dma_wait3A_291 = arith.constant 0 : i32
      %dma_wait3A_292 = tpu.memref_slice %arg14[%dma_wait3A_291] : memref<96xi32, #tpu.memory_space<vmem>> -> memref<16xi32, #tpu.memory_space<vmem>>
      %dma_wait3A_293 = tpu.memref_slice %arg3[%run_scoped3A_252, %multiple_of3A_251] : memref<2x320000xi32, #tpu.memory_space<hbm>> -> memref<1x16xi32, #tpu.memory_space<hbm>>
      %dma_wait3A_294 = tpu.memref_squeeze %dma_wait3A_293 : memref<1x16xi32, #tpu.memory_space<hbm>> -> memref<16xi32, #tpu.memory_space<hbm>>
      %dma_wait3A_295 = arith.constant 0 : i32
      %dma_wait3A_296 = tpu.memref_slice %arg14[%dma_wait3A_295] : memref<96xi32, #tpu.memory_space<vmem>> -> memref<16xi32, #tpu.memory_space<vmem>>
      %dma_wait3A_297 = tpu.memref_slice %arg3[%run_scoped3A_252, %multiple_of3A_251] : memref<2x320000xi32, #tpu.memory_space<hbm>> -> memref<1x16xi32, #tpu.memory_space<hbm>>
      %dma_wait3A_298 = tpu.memref_squeeze %dma_wait3A_297 : memref<1x16xi32, #tpu.memory_space<hbm>> -> memref<16xi32, #tpu.memory_space<hbm>>
      tpu.wait_dma2 semaphore(%run_scoped3A_282 : memref<!tpu.dma_semaphore, #tpu.memory_space<semaphore_mem>>) src(%dma_wait3A_298 : memref<16xi32, #tpu.memory_space<hbm>>) dst(%dma_wait3A_296 : memref<16xi32, #tpu.memory_space<vmem>>)
      tpu.yield
    }) : () -> ()
    %get3A_253 = arith.constant 0 : index
    %get3A_254 = tpu.vector_load %arg14[%get3A_253] {strides = array<i32>} : memref<96xi32, #tpu.memory_space<vmem>>, vector<16xi32>,
    %get3A_255 = vector.shape_cast %get3A_254 : vector<16xi32> to vector<16xi32>
    %swap3A_256 = arith.constant 0 : index
    %swap3A_257 = tpu.vector_load %arg17[%swap3A_256] {strides = array<i32>} : memref<96xi32, #tpu.memory_space<vmem>>, vector<16xi32>,
    %swap3A_258 = vector.shape_cast %swap3A_257 : vector<16xi32> to vector<16xi32>
    %swap3A_259 = vector.shape_cast %get3A_255 : vector<16xi32> to vector<16xi32>
    tpu.vector_store %arg17[%swap3A_256], %swap3A_259 {strides = array<i32>} : memref<96xi32, #tpu.memory_space<vmem>>, vector<16xi32>,
    %dma_start3A_260 = arith.constant 0 : i32
    %dma_start3A_261 = arith.constant 0 : i32
    %dma_start3A_262 = tpu.memref_slice %arg8[%dma_start3A_260, %dma_start3A_261] : memref<96x128xf32, #tpu.memory_space<vmem>> -> memref<16x128xf32, #tpu.memory_space<vmem>>
    %dma_start3A_263 = arith.constant 0 : i32
    %dma_start3A_264 = tpu.memref_slice %arg11[%dma_start3A_263] : memref<96xi32, #tpu.memory_space<vmem>> -> memref<16xi32, #tpu.memory_space<vmem>>
    %dma_start3A_265 = arith.constant 0 : i32
    %dma_start3A_266 = arith.constant 0 : i32
    %dma_start3A_267 = tpu.memref_slice %arg2[%dma_start3A_265, %dma_start3A_266] : memref<10000x128xf32, #tpu.memory_space<hbm>> -> memref<10000x128xf32, #tpu.memory_space<hbm>>
    tpu.enqueue_indirect_dma source(%dma_start3A_267 : memref<10000x128xf32, #tpu.memory_space<hbm>>) target(%dma_start3A_262 : memref<16x128xf32, #tpu.memory_space<vmem>>) offsets(%dma_start3A_264 : memref<16xi32, #tpu.memory_space<vmem>>) semaphore(%arg22 : memref<!tpu.dma_semaphore, #tpu.memory_space<semaphore_mem>>)
    %dma_wait3A_268 = arith.constant 0 : i32
    %dma_wait3A_269 = arith.constant 0 : i32
    %dma_wait3A_270 = tpu.memref_slice %arg8[%dma_wait3A_268, %dma_wait3A_269] : memref<96x128xf32, #tpu.memory_space<vmem>> -> memref<16x128xf32, #tpu.memory_space<vmem>>
    %dma_wait3A_271 = arith.constant 0 : i32
    %dma_wait3A_272 = tpu.memref_slice %arg11[%dma_wait3A_271] : memref<96xi32, #tpu.memory_space<vmem>> -> memref<16xi32, #tpu.memory_space<vmem>>
    %dma_wait3A_273 = arith.constant 0 : i32
    %dma_wait3A_274 = arith.constant 0 : i32
    %dma_wait3A_275 = tpu.memref_slice %arg2[%dma_wait3A_273, %dma_wait3A_274] : memref<10000x128xf32, #tpu.memory_space<hbm>> -> memref<10000x128xf32, #tpu.memory_space<hbm>>
    tpu.wait_indirect_dma semaphore(%arg22 : memref<!tpu.dma_semaphore, #tpu.memory_space<semaphore_mem>>) src(%dma_wait3A_275 : memref<10000x128xf32, #tpu.memory_space<hbm>>) dst(%dma_wait3A_270 : memref<16x128xf32, #tpu.memory_space<vmem>>)
    "tpu.region"() ({
      %run_scoped3A_282 = tpu.sem_alloc : memref<!tpu.dma_semaphore, #tpu.memory_space<semaphore_mem>>
      %dma_start3A_283 = arith.constant 0 : i32
      %dma_start3A_284 = arith.constant 0 : i32
      %dma_start3A_285 = tpu.memref_slice %arg6[%dma_start3A_283, %dma_start3A_284] : memref<10000x128xf32, #tpu.memory_space<vmem_shared>> -> memref<10000x128xf32, #tpu.memory_space<vmem_shared>>
      tpu.enqueue_indirect_dma source(%arg8 : memref<96x128xf32, #tpu.memory_space<vmem>>) target(%dma_start3A_285 : memref<10000x128xf32, #tpu.memory_space<vmem_shared>>) offsets(%arg17 : memref<96xi32, #tpu.memory_space<vmem>>) semaphore(%run_scoped3A_282 : memref<!tpu.dma_semaphore, #tpu.memory_space<semaphore_mem>>) {add = true}
      %dma_wait3A_286 = arith.constant 0 : i32
      %dma_wait3A_287 = arith.constant 0 : i32
      %dma_wait3A_288 = tpu.memref_slice %arg6[%dma_wait3A_286, %dma_wait3A_287] : memref<10000x128xf32, #tpu.memory_space<vmem_shared>> -> memref<10000x128xf32, #tpu.memory_space<vmem_shared>>
      tpu.wait_indirect_dma semaphore(%run_scoped3A_282 : memref<!tpu.dma_semaphore, #tpu.memory_space<semaphore_mem>>) src(%arg8 : memref<96x128xf32, #tpu.memory_space<vmem>>) dst(%dma_wait3A_288 : memref<10000x128xf32, #tpu.memory_space<vmem_shared>>)
      tpu.yield
    }) : () -> ()
    "tpu.region"() ({
      %run_scoped3A_282 = tpu.sem_alloc : memref<!tpu.dma_semaphore, #tpu.memory_space<semaphore_mem>>
      %dma_start3A_283 = arith.constant 0 : i32
      %dma_start3A_284 = arith.constant 0 : i32
      %dma_start3A_285 = tpu.memref_slice %arg7[%dma_start3A_283, %dma_start3A_284] : memref<10000x16xf32, #tpu.memory_space<vmem_shared>> -> memref<10000x16xf32, #tpu.memory_space<vmem_shared>>
      tpu.enqueue_indirect_dma source(%arg20 : memref<96x16xf32, #tpu.memory_space<vmem>>) target(%dma_start3A_285 : memref<10000x16xf32, #tpu.memory_space<vmem_shared>>) offsets(%arg17 : memref<96xi32, #tpu.memory_space<vmem>>) semaphore(%run_scoped3A_282 : memref<!tpu.dma_semaphore, #tpu.memory_space<semaphore_mem>>) {add = true}
      %dma_wait3A_286 = arith.constant 0 : i32
      %dma_wait3A_287 = arith.constant 0 : i32
      %dma_wait3A_288 = tpu.memref_slice %arg7[%dma_wait3A_286, %dma_wait3A_287] : memref<10000x16xf32, #tpu.memory_space<vmem_shared>> -> memref<10000x16xf32, #tpu.memory_space<vmem_shared>>
      tpu.wait_indirect_dma semaphore(%run_scoped3A_282 : memref<!tpu.dma_semaphore, #tpu.memory_space<semaphore_mem>>) src(%arg20 : memref<96x16xf32, #tpu.memory_space<vmem>>) dst(%dma_wait3A_288 : memref<10000x16xf32, #tpu.memory_space<vmem_shared>>)
      tpu.yield
    }) : () -> ()
    %barrier3A_276 = arith.constant 0 : index
    tpu.barrier barrier_id(%barrier3A_276)
    "tpu.region"() ({
      %run_scoped3A_282 = tpu.sem_alloc : memref<!tpu.dma_semaphore, #tpu.memory_space<semaphore_mem>>
      %dma_start3A_283 = arith.constant 0 : i32
      %dma_start3A_284 = tpu.memref_slice %arg4[%arg0, %mul3A_59, %dma_start3A_283] : memref<2x10000x128xf32, #tpu.memory_space<hbm>> -> memref<1x624x128xf32, #tpu.memory_space<hbm>>
      %dma_start3A_285 = tpu.memref_squeeze %dma_start3A_284 : memref<1x624x128xf32, #tpu.memory_space<hbm>> -> memref<624x128xf32, #tpu.memory_space<hbm>>
      %dma_start3A_286 = arith.constant 0 : i32
      %dma_start3A_287 = tpu.memref_slice %arg6[%mul3A_59, %dma_start3A_286] : memref<10000x128xf32, #tpu.memory_space<vmem_shared>> -> memref<624x128xf32, #tpu.memory_space<vmem_shared>>
      tpu.enqueue_dma source(%dma_start3A_287 : memref<624x128xf32, #tpu.memory_space<vmem_shared>>) target(%dma_start3A_285 : memref<624x128xf32, #tpu.memory_space<hbm>>) target_semaphore(%run_scoped3A_282 : memref<!tpu.dma_semaphore, #tpu.memory_space<semaphore_mem>>)
      %dma_wait3A_288 = arith.constant 0 : i32
      %dma_wait3A_289 = tpu.memref_slice %arg4[%arg0, %mul3A_59, %dma_wait3A_288] : memref<2x10000x128xf32, #tpu.memory_space<hbm>> -> memref<1x624x128xf32, #tpu.memory_space<hbm>>
      %dma_wait3A_290 = tpu.memref_squeeze %dma_wait3A_289 : memref<1x624x128xf32, #tpu.memory_space<hbm>> -> memref<624x128xf32, #tpu.memory_space<hbm>>
      %dma_wait3A_291 = arith.constant 0 : i32
      %dma_wait3A_292 = tpu.memref_slice %arg6[%mul3A_59, %dma_wait3A_291] : memref<10000x128xf32, #tpu.memory_space<vmem_shared>> -> memref<624x128xf32, #tpu.memory_space<vmem_shared>>
      tpu.wait_dma2 semaphore(%run_scoped3A_282 : memref<!tpu.dma_semaphore, #tpu.memory_space<semaphore_mem>>) src(%dma_wait3A_292 : memref<624x128xf32, #tpu.memory_space<vmem_shared>>) dst(%dma_wait3A_290 : memref<624x128xf32, #tpu.memory_space<hbm>>)
      tpu.yield
    }) : () -> ()
    "tpu.region"() ({
      %run_scoped3A_282 = tpu.sem_alloc : memref<!tpu.dma_semaphore, #tpu.memory_space<semaphore_mem>>
      %dma_start3A_283 = arith.constant 0 : i32
      %dma_start3A_284 = tpu.memref_slice %arg5[%arg0, %mul3A_59, %dma_start3A_283] : memref<2x10000x128xf32, #tpu.memory_space<hbm>> -> memref<1x624x16xf32, #tpu.memory_space<hbm>>
      %dma_start3A_285 = tpu.memref_squeeze %dma_start3A_284 : memref<1x624x16xf32, #tpu.memory_space<hbm>> -> memref<624x16xf32, #tpu.memory_space<hbm>>
      %dma_start3A_286 = arith.constant 0 : i32
      %dma_start3A_287 = tpu.memref_slice %arg7[%mul3A_59, %dma_start3A_286] : memref<10000x16xf32, #tpu.memory_space<vmem_shared>> -> memref<624x16xf32, #tpu.memory_space<vmem_shared>>
      tpu.enqueue_dma source(%dma_start3A_287 : memref<624x16xf32, #tpu.memory_space<vmem_shared>>) target(%dma_start3A_285 : memref<624x16xf32, #tpu.memory_space<hbm>>) target_semaphore(%run_scoped3A_282 : memref<!tpu.dma_semaphore, #tpu.memory_space<semaphore_mem>>)
      %dma_wait3A_288 = arith.constant 0 : i32
      %dma_wait3A_289 = tpu.memref_slice %arg5[%arg0, %mul3A_59, %dma_wait3A_288] : memref<2x10000x128xf32, #tpu.memory_space<hbm>> -> memref<1x624x16xf32, #tpu.memory_space<hbm>>
      %dma_wait3A_290 = tpu.memref_squeeze %dma_wait3A_289 : memref<1x624x16xf32, #tpu.memory_space<hbm>> -> memref<624x16xf32, #tpu.memory_space<hbm>>
      %dma_wait3A_291 = arith.constant 0 : i32
      %dma_wait3A_292 = tpu.memref_slice %arg7[%mul3A_59, %dma_wait3A_291] : memref<10000x16xf32, #tpu.memory_space<vmem_shared>> -> memref<624x16xf32, #tpu.memory_space<vmem_shared>>
      tpu.wait_dma2 semaphore(%run_scoped3A_282 : memref<!tpu.dma_semaphore, #tpu.memory_space<semaphore_mem>>) src(%dma_wait3A_292 : memref<624x16xf32, #tpu.memory_space<vmem_shared>>) dst(%dma_wait3A_290 : memref<624x16xf32, #tpu.memory_space<hbm>>)
      tpu.yield
    }) : () -> ()
    %eq3A_277 = arith.constant 15 : i32
    %eq3A_278 = arith.cmpi eq, %arg1, %eq3A_277 : i32
    %convert_element_type3A_279 = arith.extui %eq3A_278 : i1 to i32
    %cond3A_280 = arith.constant 0 : i32
    %cond3A_281 = arith.cmpi ne, %convert_element_type3A_279, %cond3A_280 : i32
    scf.if %cond3A_281 {
      "tpu.region"() ({
        %run_scoped3A_282 = tpu.sem_alloc : memref<!tpu.dma_semaphore, #tpu.memory_space<semaphore_mem>>
        %dma_start3A_283 = arith.constant 9984 : i32
        %dma_start3A_284 = arith.constant 0 : i32
        %dma_start3A_285 = tpu.memref_slice %arg4[%arg0, %dma_start3A_283, %dma_start3A_284] : memref<2x10000x128xf32, #tpu.memory_space<hbm>> -> memref<1x16x128xf32, #tpu.memory_space<hbm>>
        %dma_start3A_286 = tpu.memref_squeeze %dma_start3A_285 : memref<1x16x128xf32, #tpu.memory_space<hbm>> -> memref<16x128xf32, #tpu.memory_space<hbm>>
        %dma_start3A_287 = arith.constant 9984 : i32
        %dma_start3A_288 = arith.constant 0 : i32
        %dma_start3A_289 = tpu.memref_slice %arg6[%dma_start3A_287, %dma_start3A_288] : memref<10000x128xf32, #tpu.memory_space<vmem_shared>> -> memref<16x128xf32, #tpu.memory_space<vmem_shared>>
        tpu.enqueue_dma source(%dma_start3A_289 : memref<16x128xf32, #tpu.memory_space<vmem_shared>>) target(%dma_start3A_286 : memref<16x128xf32, #tpu.memory_space<hbm>>) target_semaphore(%run_scoped3A_282 : memref<!tpu.dma_semaphore, #tpu.memory_space<semaphore_mem>>)
        %dma_wait3A_290 = arith.constant 9984 : i32
        %dma_wait3A_291 = arith.constant 0 : i32
        %dma_wait3A_292 = tpu.memref_slice %arg4[%arg0, %dma_wait3A_290, %dma_wait3A_291] : memref<2x10000x128xf32, #tpu.memory_space<hbm>> -> memref<1x16x128xf32, #tpu.memory_space<hbm>>
        %dma_wait3A_293 = tpu.memref_squeeze %dma_wait3A_292 : memref<1x16x128xf32, #tpu.memory_space<hbm>> -> memref<16x128xf32, #tpu.memory_space<hbm>>
        %dma_wait3A_294 = arith.constant 9984 : i32
        %dma_wait3A_295 = arith.constant 0 : i32
        %dma_wait3A_296 = tpu.memref_slice %arg6[%dma_wait3A_294, %dma_wait3A_295] : memref<10000x128xf32, #tpu.memory_space<vmem_shared>> -> memref<16x128xf32, #tpu.memory_space<vmem_shared>>
        tpu.wait_dma2 semaphore(%run_scoped3A_282 : memref<!tpu.dma_semaphore, #tpu.memory_space<semaphore_mem>>) src(%dma_wait3A_296 : memref<16x128xf32, #tpu.memory_space<vmem_shared>>) dst(%dma_wait3A_293 : memref<16x128xf32, #tpu.memory_space<hbm>>)
        tpu.yield
      }) : () -> ()
      "tpu.region"() ({
        %run_scoped3A_282 = tpu.sem_alloc : memref<!tpu.dma_semaphore, #tpu.memory_space<semaphore_mem>>
        %dma_start3A_283 = arith.constant 9984 : i32
        %dma_start3A_284 = arith.constant 0 : i32
        %dma_start3A_285 = tpu.memref_slice %arg5[%arg0, %dma_start3A_283, %dma_start3A_284] : memref<2x10000x128xf32, #tpu.memory_space<hbm>> -> memref<1x16x16xf32, #tpu.memory_space<hbm>>
        %dma_start3A_286 = tpu.memref_squeeze %dma_start3A_285 : memref<1x16x16xf32, #tpu.memory_space<hbm>> -> memref<16x16xf32, #tpu.memory_space<hbm>>
        %dma_start3A_287 = arith.constant 9984 : i32
        %dma_start3A_288 = arith.constant 0 : i32
        %dma_start3A_289 = tpu.memref_slice %arg7[%dma_start3A_287, %dma_start3A_288] : memref<10000x16xf32, #tpu.memory_space<vmem_shared>> -> memref<16x16xf32, #tpu.memory_space<vmem_shared>>
        tpu.enqueue_dma source(%dma_start3A_289 : memref<16x16xf32, #tpu.memory_space<vmem_shared>>) target(%dma_start3A_286 : memref<16x16xf32, #tpu.memory_space<hbm>>) target_semaphore(%run_scoped3A_282 : memref<!tpu.dma_semaphore, #tpu.memory_space<semaphore_mem>>)
        %dma_wait3A_290 = arith.constant 9984 : i32
        %dma_wait3A_291 = arith.constant 0 : i32
        %dma_wait3A_292 = tpu.memref_slice %arg5[%arg0, %dma_wait3A_290, %dma_wait3A_291] : memref<2x10000x128xf32, #tpu.memory_space<hbm>> -> memref<1x16x16xf32, #tpu.memory_space<hbm>>
        %dma_wait3A_293 = tpu.memref_squeeze %dma_wait3A_292 : memref<1x16x16xf32, #tpu.memory_space<hbm>> -> memref<16x16xf32, #tpu.memory_space<hbm>>
        %dma_wait3A_294 = arith.constant 9984 : i32
        %dma_wait3A_295 = arith.constant 0 : i32
        %dma_wait3A_296 = tpu.memref_slice %arg7[%dma_wait3A_294, %dma_wait3A_295] : memref<10000x16xf32, #tpu.memory_space<vmem_shared>> -> memref<16x16xf32, #tpu.memory_space<vmem_shared>>
        tpu.wait_dma2 semaphore(%run_scoped3A_282 : memref<!tpu.dma_semaphore, #tpu.memory_space<semaphore_mem>>) src(%dma_wait3A_296 : memref<16x16xf32, #tpu.memory_space<vmem_shared>>) dst(%dma_wait3A_293 : memref<16x16xf32, #tpu.memory_space<hbm>>)
        tpu.yield
      }) : () -> ()
    } else {
    }
    return
  }
}

</mosaic_0001>

<sc_bundles>
// kernel: _aggregate.3.cloned.1.call-start
scs
__scs_entry_jumppad:
0x0: {  	(pc) =	sbr.rel $0x88, $3  }
0x1: {  	(tag) =	ssettag $0x0;
	lr =	simm.s32 $0x1  }
0x2: {  	[smem:$0x3F9F] =	sst lr;
	_ =	strace $0xD0000000  }
0x3: {  	_ = 	snop  }
0x4: {  	_ = 	snop  }
0x5: {  	_ = 	snop  }
0x6: {  	_ = 	snop  }
0x7: {  	_ = 	snop  }
__scs_overlays_trampoline_lowered:
0x8: {  	[smem:$0x3FAE] =	sst s0  }
0x9: {  	[smem:$0x3FAF] =	sst s1  }
0xa: {  	[smem:$0x3FB0] =	sst s2  }
0xb: {  	[smem:$0x3FB1] =	sst s3  }
0xc: {  	[smem:$0x3FB2] =	sst s4  }
0xd: {  	[smem:$0x3FB3] =	sst s5  }
0xe: {  	[smem:$0x3FB4] =	sst s6  }
0xf: {  	[smem:$0x3FB5] =	sst s7  }
0x10: {  	[smem:$0x3FB6] =	sst s8  }
0x11: {  	[smem:$0x3FB7] =	sst s9;
	s0 =	simm.s32 @!p0 $0x0  }
0x12: {  	s1 =	sld [smem:$0x3F9D];
	s0 =	simm.s32 @p0 $0x1  }
0x13: {  	[smem:$0x3FB8] =	sst s0;
	s0 =	simm.s32 @!p1 $0x0  }
0x14: {  	s2 =	sld [smem:$0x3F9C];
	s0 =	simm.s32 @p1 $0x1  }
0x15: {  	[smem:$0x3FB9] =	sst s0;
	s0 =	simm.s32 @!p2 $0x0  }
0x16: {  	s3 =	sld [smem:$0x3FDB];
	s0 =	simm.s32 @p2 $0x1  }
0x17: {  	s4 =	simm.s32 $0x1BF5;
	[smem:$0x3FBB] =	sst s0  }
0x18: {  	s0 =	sld [smem:$0x3F9E];
	_ =	swait.ge [sflag:s4], $0x0  }
0x19: {  	s7 =	sld [smem:$0x3F9F]  }
0x1a: {  	s8 =	sadd.s32 $0xFFFFE003, lr  }
0x1b: {  	s9 =	sadd.s32 $0xFFFFFEF7, lr;
	s5 =	simm.s32 $0xFFFFFFFF;
	p2 =	slt.u32 s8, $0xFFFFF086  }
0x1c: {  	p1 =	slt.u32 s9, $0xF7A;
	s5 =	simm.s32 @!p2 $0x0  }
0x1d: {  	s5 =	simm.s32 @p1 $0x1;
	p0 =	seq.s32 s7, s2  }
0x1e: {  	s7 =	smul.u32 @!p0 $0xF7A, s2;
	p2 =	seq.s32 @!p0 s5, $0x0  }
0x1f: {  	s9 =	smul.u32 $0xF7A, s1;
	s8 =	simm.s32 @!p0 $0x1BF5;
	p2 =	por !p2, p0  }
0x20: {  	[sflag:s8] =	ssyncset.s32 @!p0 $0xFFFFF086;
	s6 =	sadd.s32 @!p0 s3, s7;
	s7 =	simm.s32 @!p0 $0x108  }
0x21: {  	s3 =	sadd.s32 s3, s9;
	s6 =	sadd.s32 @!p0 $0x88, s6;
	s7 =	simm.s32 @p2 $0x1082  }
0x22: {  	[simem:s7], [sflag:s8] =	dma.local @!p0 [hbm:s6], $0xF7A  }
0x23: {  	s9 =	sor.u32 $0xD0000000, s2;
	s6 =	simm.s32 $0x108;
	_ =	swait.ge @!p0 [sflag:s8], $0x0  }
0x24: {  	s3 =	sadd.s32 $0x88, s3;
	s6 =	simm.s32 @!p1 $0x1082;
	[sflag:s4] =	ssyncset.s32 $0xFFFFF086  }
0x25: {  	[simem:s6], [sflag:s4] =	dma.local [hbm:s3], $0xF7A  }
0x26: {  	[smem:$0x3F9F] =	sst s1;
	(tag) =	ssettag s2;
	_ =	strace s9  }
0x27: {  	s1 =	sld [smem:$0x3FAF]  }
0x28: {  	s2 =	sld [smem:$0x3FB0]  }
0x29: {  	s4 =	sld [smem:$0x3FB2]  }
0x2a: {  	p0 =	seq.s32 s5, $0x0;
	s5 =	sld [smem:$0x3FB3]  }
0x2b: {  	s6 =	sld [smem:$0x3FB4]  }
0x2c: {  	s7 =	sld [smem:$0x3FB5]  }
0x2d: {  	s3 =	simm.s32 $0x108;
	s8 =	sld [smem:$0x3FB6]  }
0x2e: {  	s3 =	simm.s32 @!p0 $0x1082;
	s9 =	sld [smem:$0x3FB7]  }
0x2f: {  	lr =	sadd.s32 s0, s3;
	s0 =	sld [smem:$0x3FAE]  }
0x30: {  	s3 =	sld [smem:$0x3FB1]  }
0x31: {  	[smem:$0x3FBA] =	sst s10  }
0x32: {  	s10 =	sld [smem:$0x3FB8];
	_ =	sdelay $0x3  }
0x33: {  	p0 =	seq.s32 s10, $0x1;
	s10 =	sld [smem:$0x3FBA];
	_ =	sdelay $0x3  }
0x34: {  	[smem:$0x3FBA] =	sst s10  }
0x35: {  	s10 =	sld [smem:$0x3FB9];
	_ =	sdelay $0x3  }
0x36: {  	p1 =	seq.s32 s10, $0x1;
	s10 =	sld [smem:$0x3FBA];
	_ =	sdelay $0x3  }
0x37: {  	[smem:$0x3FBA] =	sst s10  }
0x38: {  	s10 =	sld [smem:$0x3FBB]  }
0x39: {  	_ = 	snop;
	(pc) =	sbr.ind lr, $3  }
0x3a: {  	_ = 	snop  }
0x3b: {  	_ = 	snop  }
0x3c: {  	p2 =	seq.s32 s10, $0x1;
	s10 =	sld [smem:$0x3FBA]  }
0x3d: {  	_ =	shalt  }
0x3e: {  	_ =	shalt  }
0x3f: {  	_ =	shalt  }
0x40: {  	_ =	shalt  }
0x41: {  	_ =	shalt  }
0x42: {  	_ =	shalt  }
0x43: {  	_ =	shalt  }
0x44: {  	_ =	shalt  }
0x45: {  	_ =	shalt  }
0x46: {  	_ =	shalt  }
0x47: {  	_ =	shalt  }
0x48: {  	_ =	shalt  }
0x49: {  	_ =	shalt  }
0x4a: {  	_ =	shalt  }
0x4b: {  	_ =	shalt  }
0x4c: {  	_ =	shalt  }
0x4d: {  	_ =	shalt  }
0x4e: {  	_ =	shalt  }
0x4f: {  	_ =	shalt  }
0x50: {  	_ =	shalt  }
0x51: {  	_ =	shalt  }
0x52: {  	_ =	shalt  }
0x53: {  	_ =	shalt  }
0x54: {  	_ =	shalt  }
0x55: {  	_ =	shalt  }
0x56: {  	_ =	shalt  }
0x57: {  	_ =	shalt  }
0x58: {  	_ =	shalt  }
0x59: {  	_ =	shalt  }
0x5a: {  	_ =	shalt  }
0x5b: {  	_ =	shalt  }
0x5c: {  	_ =	shalt  }
0x5d: {  	_ =	shalt  }
0x5e: {  	_ =	shalt  }
0x5f: {  	_ =	shalt  }
0x60: {  	_ =	shalt  }
0x61: {  	_ =	shalt  }
0x62: {  	_ =	shalt  }
0x63: {  	_ =	shalt  }
0x64: {  	_ =	shalt  }
0x65: {  	_ =	shalt  }
0x66: {  	_ =	shalt  }
0x67: {  	_ =	shalt  }
0x68: {  	_ =	shalt  }
0x69: {  	_ =	shalt  }
0x6a: {  	_ =	shalt  }
0x6b: {  	_ =	shalt  }
0x6c: {  	_ =	shalt  }
0x6d: {  	_ =	shalt  }
0x6e: {  	_ =	shalt  }
0x6f: {  	_ =	shalt  }
0x70: {  	_ =	shalt  }
0x71: {  	_ =	shalt  }
0x72: {  	_ =	shalt  }
0x73: {  	_ =	shalt  }
0x74: {  	_ =	shalt  }
0x75: {  	_ =	shalt  }
0x76: {  	_ =	shalt  }
0x77: {  	_ =	shalt  }
0x78: {  	_ =	shalt  }
0x79: {  	_ =	shalt  }
0x7a: {  	_ =	shalt  }
0x7b: {  	_ =	shalt  }
0x7c: {  	_ =	shalt  }
0x7d: {  	_ =	shalt  }
0x7e: {  	_ =	shalt  }
0x7f: {  	_ =	shalt  }
0x80: {  	_ =	shalt  }
0x81: {  	_ =	shalt  }
0x82: {  	_ =	shalt  }
0x83: {  	_ =	shalt  }
0x84: {  	_ =	shalt  }
0x85: {  	_ =	shalt  }
0x86: {  	_ =	shalt  }
0x87: {  	_ =	shalt  }
.Lfunc_end0:
.L_simem_size_0:
called_computation_lowered:
.L_overlay_start_0:
0x88: {  	s2 =	sld [smem:$0x3FD9]  }
0x89: {  	s3 =	sld [smem:$0x3FFE];
	_ =	sdelay $0x1  }
0x8a: {  	s1 =	srdreg.scid  }
0x8b: {  	s0 =	sand.u32 $0x1, s1  }
0x8c: {  	s14 =	sshll.u32 s0, $0xA;
	s2 =	sadd.s32 s3, s2  }
0x8d: {  	s2 =	sadd.s32 s2, s14  }
0x8e: {  	[smem:$0x3FC6] =	sst s2  }
0x8f: {  	_ = 	snop  }
0x90: {  	s2 =	sld [smem:$0x3FD0];
	_ =	sdelay $0x2  }
0x91: {  	s4 =	simm.s32 $0xA;
	s5 =	simm.s32 $0x10;
	s15 =	sld [smem:$0x3FC9]  }
0x92: {  	[smem:s5], [sflag:s4] =	dma.local [hbm:s2], $0x1  }
0x93: {  	_ =	swait.eq [sflag:s4], $0x1  }
0x94: {  	[sflag:s4] =	ssyncset.done $0x0  }
0x95: {  	s16 =	sld [smem:$0x10];
	[sflag:s4] =	ssyncadd.s32 $0xFFFFFFFF  }
0x96: {  	s17 =	sld [smem:$0x11];
	(tm) =	ssettm $0x1  }
0x97: {  	s18 =	sld [smem:$0x3FFB];
	_ =	sdelay $0x3  }
0x98: {  	_ =	strace s18  }
0x99: {  	s5 =	sld [smem:$0x3FFC];
	_ =	sdelay $0x3  }
0x9a: {  	_ =	strace s5  }
0x9b: {  	s5 =	sld [smem:$0x3FFD];
	_ =	sdelay $0x3  }
0x9c: {  	_ =	strace s5  }
0x9d: {  	_ =	strace $0x8FFFFFFF  }
0x9e: {  	s19 =	sld [smem:$0x3FDB];
	_ =	sdelay $0x1  }
0x9f: {  	s6 =	simm.s32 $_scs_section_size  }
0xa0: {  	s7 =	simm.s32 $_size__tile_overlayer_lowered;
	s8 =	simm.s32 $_tile_overlayer_lowered  }
0xa1: {  	s22 =	simm.s32 $0x1BFF;
	s21 =	sshll.u32 s8, $0x1;
	s5 =	sadd.s32 s6, s19  }
0xa2: {  	s9 =	simm.s32 $0x0;
	s20 =	sshll.u32 s7, $0x1;
	s7 =	sadd.s32 s21, s5  }
0xa3: {  	[timem:s9], [sflag:s22] =	dma.local [hbm:s7], s20  }
0xa4: {  	_ =	swait.ge [sflag:s22], s20  }
0xa5: {  	s6 =	ssub.s32 $0x0, s20;
	[sflag:s22] =	ssyncset.done $0x0  }
0xa6: {  	[sflag:s22] =	ssyncadd.s32 s6;
	_ =	sdelay $0x1  }
0xa7: {  	s23 =	simm.s32 $0x1B8B  }
0xa8: {  	_ =	swait.ge [sflag:s23], $0x1  }
0xa9: {  	[sflag:s23] =	ssyncset.done $0x0  }
0xaa: {  	s25 =	simm.s32 $0x1B8E;
	s24 =	sld [smem:$0x3FFE];
	[sflag:s23] =	ssyncadd.s32 $0xFFFFFFFF  }
0xab: {  	s26 =	simm.s32 $execute0_lowered;
	[smem:$0x3FD2] =	sst s25  }
0xac: {  	s7 =	sshll.u32 s26, $0x1;
	_ =	strace $0x80000046;
	[dreg:$0x1] =	wrdreg $0xFFFFFFFF  }
0xad: {  	s28 =	simm.s32 $_size_execute0_lowered;
	s5 =	sadd.s32 s5, s7;
	[dreg:$0x0] =	wrdreg $0x0  }
0xae: {  	s7 =	sshll.u32 s28, $0x1;
	[dreg:$0x2] =	wrdreg s5  }
0xaf: {  	[dreg:$0x3] =	wrdreg s7  }
0xb0: {  	[dreg:$0x4] =	wrdreg $0xC0  }
0xb1: {  	_ =	task [dreg:s9], $0x5FFFF  }
0xb2: {  	[dreg:$0x1] =	wrdreg $0xFFFFFFFF  }
0xb3: {  	[dreg:$0x0] =	wrdreg $0x60  }
0xb4: {  	[dreg:$0x2] =	wrdreg s15  }
0xb5: {  	[dreg:$0x3] =	wrdreg s24  }
0xb6: {  	[dreg:$0x4] =	wrdreg s16  }
0xb7: {  	[dreg:$0x5] =	wrdreg s17  }
0xb8: {  	[dreg:$0x6] =	wrdreg $0x0  }
0xb9: {  	[dreg:$0x7] =	wrdreg $0x138800  }
0xba: {  	[dreg:$0x8] =	wrdreg $0x9  }
0xbb: {  	_ =	task.clear_ibuf [dreg:s9], $0x9FFFF;
	_ =	strace $0x90000046  }
0xbc: {  	s29 =	simm.s32 $0x9;
	_ =	strace $0x80000048  }
0xbd: {  	_ =	swait.ge [sflag:s29], $0x1  }
0xbe: {  	[sflag:s29] =	ssyncadd.s32 $0xFFFFFFFF  }
0xbf: {  	_ =	strace $0x90000048  }
0xc0: {  	_ =	sfence  }
0xc1: {  	s30 =	sld [smem:$0x0];
	_ =	sdelay $0x2  }
0xc2: {  	s31 =	sshll.u32 s1, $0xD;
	s1 =	sshrl.u32 s1, $0x2  }
0xc3: {  	s3 =	sand.u32 $0x4000, s31;
	s1 =	sadd.s32 s1, s30  }
0xc4: {  	s0 =	sor.u32 s3, s0;
	s1 =	sshll.u32 s1, $0x11  }
0xc5: {  	s0 =	sor.u32 s1, s0  }
0xc6: {  	s0 =	sadd.s32 $0x8F2B, s0  }
0xc7: {  	[sflag:s0] =	ssyncadd.remote.s32 $0x1  }
0xc8: {  	_ =	sfence.sel $0xFFFF  }
0xc9: {  	[dreg:$0x0] =	wrdreg $0xFFFFFFFF;
	(pc) =	sbr.abs _section_cstart, $3  }
0xca: {  	[dreg:$0x1] =	wrdreg $0xFFFFFFFF  }
0xcb: {  	_ =	task.clear_ibuf [dreg:s9], $0x2FFFF;
	_ =	strace $0x9FFFFFFF  }
0xcc: {  	(tm) =	ssettm $0x7FFFFFFF  }
0xcd: {  	_ =	shalt  }
tec
execute0_lowered:
.L_overlay_start_1:
0x0: {  	(tag) =	ssettag $0x1  }
0x1: {  	s25 =	rddreg [dreg:$0x0]  }
0x2: {  	s1 =	rddreg [dreg:$0x1]  }
0x3: {  	s7 =	rddreg [dreg:$0x2]  }
0x4: {  	s8 =	rddreg [dreg:$0x3]  }
0x5: {  	s3 =	rddreg [dreg:$0x4]  }
0x6: {  	s2 =	srdreg.scid;
	s6 =	stileid.u32  }
0x7: {  	s4 =	rddreg [dreg:$0x5];
	s5 =	simm.s32 $0x0;
	s29 =	simm.s32 $0x6  }
0x8: {  	s31 =	simm.s32 $0x1;
	s30 =	simm.s32 $0x1F1D0;
	s11 =	smul.u32 $0x13800, s6  }
0x9: {  	s9 =	sand.u32 $0x1, s2;
	s23 =	sshll.u32 s6, $0x1;
	s12 =	smul.u32 $0x9C00, s6  }
0xa: {  	[smem:$0x7FF] =	sst s5;
	s28 =	sadd.s32 $0x800, s1;
	s22 =	smul.u32 $0x4E20, s6  }
0xb: {  	p0 =	sne.s32 s6, $0xF;
	s2 =	sor.u32 s9, s23;
	s20 =	smul.u32 $0x138800, s9  }
0xc: {  	_ =	strace $0x80000047;
	s10 =	ssub.s32 $0x2, s9;
	s9 =	smul.u32 $0x2710, s9  }
0xd: {  	s2 =	smul.u32 $0x2710, s2;
	s24 =	sshrl.u32 s10, $0x1;
	s0 =	sadd.s32 s11, s3  }
0xe: {  	s13 =	sshrl.u32 s12, $0x2;
	s1 =	ssub.s32 s10, s24;
	[dreg:$0xe] =	wrdreg s0  }
0xf: {  	s10 =	sadd.s32 s13, s4;
	s11 =	sadd.s32 s11, s20;
	s9 =	sadd.s32 s9, s22  }
0x10: {  	s26 =	sshrl.u32 s2, $0x3;
	s2 =	smul.u32 $0x270, s6;
	[dreg:$0xf] =	wrdreg s10  }
0x11: {  	s24 =	sshrl.u32 s11, $0x3;
	s1 =	smax.u32 s1, $0x1;
	s6 =	simm.s32 $0x1F110  }
0x12: {  	s15 =	sadd.s32 s28, s26;
	s11 =	sadd.s32 s7, s24;
	s26 =	sshrl.u32 s20, $0x3  }
0x13: {  	s20 =	sadd.s32 $0x4E320, s9;
	[smem:$0x7F4] =	sst s1;
	s1 =	simm.s32 $0x3  }
0x14: {  	s14 =	sadd.s32 $0x60, s2;
	s16 =	sadd.s32 $0xC0, s2;
	s19 =	sadd.s32 $0x120, s2  }
0x15: {  	[dreg:$0x16] =	wrdreg s11;
	s0 =	sadd.s32 $0x27000, s26;
	s11 =	simm.s32 $0x1F290  }
0x16: {  	[dreg:$0xd] =	wrdreg s15;
	s13 =	sshll.u32 s14, $0x7;
	s10 =	sshll.u32 s14, $0x4  }
0x17: {  	s14 =	sshll.u32 s16, $0x7;
	s18 =	sshll.u32 s16, $0x4;
	s21 =	sshll.u32 s19, $0x7  }
0x18: {  	s12 =	sshll.u32 s19, $0x4;
	s7 =	sadd.s32 s7, s0;
	[dreg:$0xc] =	wrdreg s11  }
0x19: {  	s11 =	simm.s32 $0x1F2F0;
	s13 =	sadd.s32 s13, s3;
	[dreg:$0x18] =	wrdreg s7  }
0x1a: {  	s10 =	sadd.s32 s10, s4;
	s17 =	sadd.s32 s14, s3;
	[dreg:$0x10] =	wrdreg s13  }
0x1b: {  	s23 =	sadd.s32 s12, s4;
	s12 =	sadd.s32 $0x1E0, s9;
	[dreg:$0x11] =	wrdreg s10  }
0x1c: {  	s14 =	sadd.s32 $0x180, s9;
	[dreg:$0x12] =	wrdreg s17;
	s10 =	sadd.s32 s18, s4  }
0x1d: {  	[dreg:$0x15] =	wrdreg s23;
	s13 =	sshrl.u32 s12, $0x3;
	s16 =	sshrl.u32 s14, $0x3  }
0x1e: {  	s18 =	sadd.s32 $0x4E380, s9;
	s12 =	sadd.s32 $0x1E0, s2;
	[dreg:$0x13] =	wrdreg s10  }
0x1f: {  	s10 =	sadd.s32 s21, s3;
	s7 =	sadd.s32 s13, s28;
	s17 =	sadd.s32 s16, s28  }
0x20: {  	s19 =	sshrl.u32 s18, $0x3;
	s21 =	sadd.s32 $0x4E2C0, s9;
	[dreg:$0x14] =	wrdreg s10  }
0x21: {  	s14 =	sshll.u32 s12, $0x7;
	s18 =	sadd.s32 $0x9C40, s15;
	[dreg:$0x7] =	wrdreg s7  }
0x22: {  	s10 =	sadd.s32 s8, s24;
	s8 =	sadd.s32 s8, s0;
	[dreg:$0x8] =	wrdreg s17  }
0x23: {  	s7 =	sadd.s32 s19, s28;
	s23 =	sshrl.u32 s21, $0x3;
	[smem:$0x7F6] =	sst s18  }
0x24: {  	s24 =	sadd.s32 $0x180, s2;
	s2 =	sadd.s32 $0x240, s2;
	[dreg:$0x17] =	wrdreg s10  }
0x25: {  	s17 =	sadd.s32 $0x120, s9;
	s19 =	sadd.s32 $0x9C4C, s15;
	[dreg:$0x19] =	wrdreg s8  }
0x26: {  	s21 =	sadd.s32 $0x18, s15;
	s18 =	simm.s32 $0x15F90;
	[dreg:$0x9] =	wrdreg s7  }
0x27: {  	s9 =	simm.s32 $0xC;
	s8 =	sshrl.u32 s20, $0x3;
	[smem:$0x7F5] =	sst s17  }
0x28: {  	s26 =	sadd.s32 s23, s28;
	s0 =	sshll.u32 s24, $0x7;
	[smem:$0x7F7] =	sst s19  }
0x29: {  	s10 =	sshll.u32 s24, $0x4;
	s7 =	sshll.u32 s12, $0x4;
	[smem:$0x7F9] =	sst s21  }
0x2a: {  	s16 =	sshll.u32 s2, $0x7;
	s20 =	sadd.s32 $0xC, s15;
	[dreg:$0xb] =	wrdreg s26  }
0x2b: {  	s2 =	sshll.u32 s2, $0x4;
	s23 =	sadd.s32 $0x27000, s4;
	[smem:$0x7F8] =	sst s20  }
0x2c: {  	s24 =	sadd.s32 $0x4E0, s15;
	s19 =	simm.s32 $0xD;
	[smem:$0x7FB] =	sst s23  }
0x2d: {  	s21 =	simm.s32 $0x4;
	s22 =	sadd.s32 s8, s28;
	[smem:$0x7FC] =	sst s24  }
0x2e: {  	s12 =	simm.s32 $0xB;
	s8 =	sadd.s32 s0, s3;
	[dreg:$0xa] =	wrdreg s22  }
0x2f: {  	s13 =	sadd.s32 s10, s4;
	s7 =	sadd.s32 s7, s4;
	[dreg:$0x1a] =	wrdreg s8  }
0x30: {  	s2 =	sadd.s32 s2, s4;
	s26 =	sadd.s32 $0xA120, s15;
	[dreg:$0x1b] =	wrdreg s13  }
0x31: {  	s15 =	simm.s32 $0x1EF90;
	s23 =	simm.s32 $0x5;
	[dreg:$0x1d] =	wrdreg s7  }
0x32: {  	s24 =	simm.s32 $0x18F90;
	s0 =	simm.s32 $0x1BF90;
	[dreg:$0x1f] =	wrdreg s2  }
0x33: {  	s10 =	simm.s32 $0x0;
	s8 =	sadd.s32 s14, s3;
	[smem:$0x7FD] =	sst s26  }
0x34: {  	s7 =	sadd.s32 s16, s3;
	s22 =	sadd.s32 $0x138000, s3;
	[dreg:$0x1c] =	wrdreg s8  }
0x35: {  	s16 =	simm.s32 $0x1EFF0;
	s13 =	simm.s32 $0x1F050;
	[dreg:$0x1e] =	wrdreg s7  }
0x36: {  	v0 =	vimm.f32 $0.0e+00;
	vm0 =	vcmask $0x300;
	s14 =	simm.s32 $0x1F170;
	s26 =	simm.s32 $0xA;
	[smem:$0x7FA] =	sst s22  }
0x37: {  	v1 =	vsel vm0, $0x3F800000, v0;
	s8 =	simm.s32 $0x1F0B0;
	s22 =	simm.s32 $0x60;
	s7 =	simm.s32 $0x2  }
.LBB2_1:
0x38: {  	s2 =	sld [smem:$0x7F6]  }
0x39: {  	[smem:$0x7F3] =	sst s10  }
0x3a: {  	s20 =	sld [smem:$0x7F7]  }
0x3b: {  	[tilespmem:s8], [sflag:$0xA] =	stream.linear.gather [hbm4b:s2+s5], $0x60, $0x38;
	[tilespmem:$0x1FEF0] =	vst v63  }
0x3c: {  	s10 =	rddreg [dreg:$0xd]  }
0x3d: {  	[tilespmem:s6], [sflag:$0xB] =	stream.linear.gather [hbm4b:s20+s5], $0x60, $0x38;
	[tilespmem:$0x1FEF0] =	vst v63  }
0x3e: {  	s17 =	sld [smem:$0x7F8]  }
0x3f: {  	[tilespmem:s15], [sflag:$0x4] =	stream.linear.gather [hbm4b:s10+s5], $0x60, $0x38;
	[tilespmem:$0x1FEF0] =	vst v63  }
0x40: {  	s20 =	sld [smem:$0x7F9]  }
0x41: {  	[tilespmem:s16], [sflag:$0x5] =	stream.linear.gather [hbm4b:s17+s5], $0x60, $0x38;
	[tilespmem:$0x1FEF0] =	vst v63  }
0x42: {  	s10 =	simm.s32 $0x0;
	s17 =	simm.s32 $0x200  }
0x43: {  	[tilespmem:s13], [sflag:$0x6] =	stream.linear.gather [hbm4b:s20+s5], $0x60, $0x38;
	[tilespmem:$0x1FEF0] =	vst v63  }
.LBB2_2:
0x44: {  	p1 =	sne.s32 s17, $0xBE00;
	[tilespmem:s10+$0x16000] =	vst v0  }
0x45: {  	[tilespmem:s10+$0x15F90] =	vst v0  }
0x46: {  	[tilespmem:s10+$0x15FA0] =	vst v0  }
.Ltmp0:
0x47: {  	[tilespmem:s10+$0x15FB0] =	vst v0;
	(pc) =	sbr.rel @p1 .LBB2_2-.Ltmp0, $4  }
0x48: {  	[tilespmem:s10+$0x15FC0] =	vst v0  }
0x49: {  	[tilespmem:s10+$0x15FD0] =	vst v0  }
0x4a: {  	[tilespmem:s10+$0x15FE0] =	vst v0  }
0x4b: {  	[tilespmem:s10+$0x15FF0] =	vst v0;
	s10 =	sshra.s32 s17, $0x2;
	s17 =	sadd.s32 $0x200, s17  }
0x4c: {  	[tilespmem:s10+$0x16000] =	vst v0  }
0x4d: {  	[tilespmem:s10+$0x15F90] =	vst v0  }
0x4e: {  	[tilespmem:s10+$0x15FA0] =	vst v0  }
0x4f: {  	[tilespmem:s10+$0x15FB0] =	vst v0  }
0x50: {  	[tilespmem:s10+$0x15FC0] =	vst v0  }
0x51: {  	[tilespmem:s10+$0x15FD0] =	vst v0  }
0x52: {  	[tilespmem:s10+$0x15FE0] =	vst v0  }
0x53: {  	[tilespmem:s10+$0x15FF0] =	vst v0;
	s10 =	simm.s32 $0x40;
	s17 =	simm.s32 $0x0  }
.LBB2_4:
0x54: {  	p1 =	sne.s32 s10, $0x17C0;
	[tilespmem:s17+$0x1F8F0] =	vst v0;
	s20 =	smov.u32 s10;
	s10 =	sadd.s32 $0x40, s10  }
.Ltmp1:
0x55: {  	[tilespmem:s17+$0x1F2F0] =	vst v1;
	(pc) =	sbr.rel @p1 .LBB2_4-.Ltmp1, $2  }
0x56: {  	_ =	sdelay $0x2  }
0x57: {  	s17 =	sshra.s32 s20, $0x2  }
0x58: {  	[tilespmem:s17+$0x1F8F0] =	vst v0  }
0x59: {  	[tilespmem:s17+$0x1F2F0] =	vst v1;
	s2 =	rddreg [dreg:$0xe]  }
0x5a: {  	[spmem:s2] =	stream.linear.scatter [tilespmem:s18], [sflag:$0xD], $0x3000, $0x38;
	[tilespmem:$0x1FEF0] =	vst v63  }
0x5b: {  	_ =	swait.ge [sflag:s19], $0x3000  }
0x5c: {  	[sflag:s19] =	ssyncset.done $0x0  }
0x5d: {  	s10 =	simm.s32 $0x1F8F0;
	s20 =	rddreg [dreg:$0xf];
	[sflag:s19] =	ssyncadd.s32 $0xFFFFD000  }
0x5e: {  	[spmem:s20] =	stream.linear.scatter [tilespmem:s10], [sflag:$0xD], $0x600, $0x38;
	[tilespmem:$0x1FEF0] =	vst v63  }
0x5f: {  	_ =	swait.ge [sflag:s19], $0x600  }
0x60: {  	[sflag:s19] =	ssyncset.done $0x0  }
0x61: {  	s17 =	rddreg [dreg:$0x10];
	[sflag:s19] =	ssyncadd.s32 $0xFFFFFA00  }
0x62: {  	[spmem:s17] =	stream.linear.scatter [tilespmem:s18], [sflag:$0xD], $0x3000, $0x38;
	[tilespmem:$0x1FEF0] =	vst v63  }
0x63: {  	_ =	swait.ge [sflag:s19], $0x3000  }
0x64: {  	[sflag:s19] =	ssyncset.done $0x0  }
0x65: {  	s20 =	rddreg [dreg:$0x11];
	[sflag:s19] =	ssyncadd.s32 $0xFFFFD000  }
0x66: {  	[spmem:s20] =	stream.linear.scatter [tilespmem:s10], [sflag:$0xD], $0x600, $0x38;
	[tilespmem:$0x1FEF0] =	vst v63  }
0x67: {  	_ =	swait.ge [sflag:s19], $0x600  }
0x68: {  	[sflag:s19] =	ssyncset.done $0x0  }
0x69: {  	s17 =	rddreg [dreg:$0x12];
	[sflag:s19] =	ssyncadd.s32 $0xFFFFFA00  }
0x6a: {  	[spmem:s17] =	stream.linear.scatter [tilespmem:s18], [sflag:$0xD], $0x3000, $0x38;
	[tilespmem:$0x1FEF0] =	vst v63  }
0x6b: {  	_ =	swait.ge [sflag:s19], $0x3000  }
0x6c: {  	[sflag:s19] =	ssyncset.done $0x0  }
0x6d: {  	s20 =	rddreg [dreg:$0x13];
	[sflag:s19] =	ssyncadd.s32 $0xFFFFD000  }
0x6e: {  	[spmem:s20] =	stream.linear.scatter [tilespmem:s10], [sflag:$0xD], $0x600, $0x38;
	[tilespmem:$0x1FEF0] =	vst v63  }
0x6f: {  	_ =	swait.ge [sflag:s19], $0x600  }
0x70: {  	[sflag:s19] =	ssyncset.done $0x0  }
0x71: {  	s17 =	rddreg [dreg:$0x14];
	[sflag:s19] =	ssyncadd.s32 $0xFFFFFA00  }
0x72: {  	[spmem:s17] =	stream.linear.scatter [tilespmem:s18], [sflag:$0xD], $0x3000, $0x38;
	[tilespmem:$0x1FEF0] =	vst v63  }
0x73: {  	_ =	swait.ge [sflag:s19], $0x3000  }
0x74: {  	[sflag:s19] =	ssyncset.done $0x0  }
0x75: {  	s20 =	rddreg [dreg:$0x15];
	[sflag:s19] =	ssyncadd.s32 $0xFFFFD000  }
0x76: {  	[spmem:s20] =	stream.linear.scatter [tilespmem:s10], [sflag:$0xD], $0x600, $0x38;
	[tilespmem:$0x1FEF0] =	vst v63  }
0x77: {  	_ =	swait.ge [sflag:s19], $0x600  }
0x78: {  	[sflag:s19] =	ssyncset.done $0x0  }
0x79: {  	s17 =	rddreg [dreg:$0x1a];
	[sflag:s19] =	ssyncadd.s32 $0xFFFFFA00  }
0x7a: {  	[spmem:s17] =	stream.linear.scatter [tilespmem:s18], [sflag:$0xD], $0x3000, $0x38;
	[tilespmem:$0x1FEF0] =	vst v63  }
0x7b: {  	_ =	swait.ge [sflag:s19], $0x3000  }
0x7c: {  	[sflag:s19] =	ssyncset.done $0x0  }
0x7d: {  	s20 =	rddreg [dreg:$0x1b];
	[sflag:s19] =	ssyncadd.s32 $0xFFFFD000  }
0x7e: {  	[spmem:s20] =	stream.linear.scatter [tilespmem:s10], [sflag:$0xD], $0x600, $0x38;
	[tilespmem:$0x1FEF0] =	vst v63  }
0x7f: {  	_ =	swait.ge [sflag:s19], $0x600  }
0x80: {  	[sflag:s19] =	ssyncset.done $0x0  }
0x81: {  	s17 =	rddreg [dreg:$0x1c];
	[sflag:s19] =	ssyncadd.s32 $0xFFFFFA00  }
0x82: {  	[spmem:s17] =	stream.linear.scatter [tilespmem:s18], [sflag:$0xD], $0x3000, $0x38;
	[tilespmem:$0x1FEF0] =	vst v63  }
0x83: {  	_ =	swait.ge [sflag:s19], $0x3000  }
0x84: {  	[sflag:s19] =	ssyncset.done $0x0  }
0x85: {  	s20 =	rddreg [dreg:$0x1d];
	[sflag:s19] =	ssyncadd.s32 $0xFFFFD000  }
0x86: {  	[spmem:s20] =	stream.linear.scatter [tilespmem:s10], [sflag:$0xD], $0x600, $0x38;
	[tilespmem:$0x1FEF0] =	vst v63  }
0x87: {  	_ =	swait.ge [sflag:s19], $0x600  }
0x88: {  	[sflag:s19] =	ssyncset.done $0x0  }
0x89: {  	s17 =	rddreg [dreg:$0x1e];
	[sflag:s19] =	ssyncadd.s32 $0xFFFFFA00  }
0x8a: {  	[spmem:s17] =	stream.linear.scatter [tilespmem:s18], [sflag:$0xD], $0x1800, $0x38;
	[tilespmem:$0x1FEF0] =	vst v63  }
0x8b: {  	_ =	swait.ge [sflag:s19], $0x1800  }
0x8c: {  	[sflag:s19] =	ssyncset.done $0x0  }
0x8d: {  	s20 =	rddreg [dreg:$0x1f];
	[sflag:s19] =	ssyncadd.s32 $0xFFFFE800  }
0x8e: {  	[spmem:s20] =	stream.linear.scatter [tilespmem:s10], [sflag:$0xD], $0x300, $0x38;
	[tilespmem:$0x1FEF0] =	vst v63  }
0x8f: {  	_ =	swait.ge [sflag:s19], $0x300  }
0x90: {  	s2 =	sld [smem:$0x7FA]  }
0x91: {  	[sflag:s19] =	ssyncset.done $0x0  }
0x92: {  	s10 =	simm.s32 @!p0 $0x15F90;
	[sflag:s19] =	ssyncadd.s32 $0xFFFFFD00  }
0x93: {  	[spmem:s2] =	stream.linear.scatter @!p0 [tilespmem:s10], [sflag:$0xD], $0x800, $0x38;
	[tilespmem:$0x1FEF0] =	vst v63  }
0x94: {  	s10 =	simm.s32 @!p0 $0xD  }
0x95: {  	_ =	swait.ge @!p0 [sflag:s10], $0x800  }
0x96: {  	s2 =	sld [smem:$0x7FB]  }
0x97: {  	[sflag:s10] =	ssyncset.done @!p0 $0x0  }
0x98: {  	s17 =	simm.s32 @!p0 $0x1F8F0;
	[sflag:s10] =	ssyncadd.s32 @!p0 $0xFFFFF800  }
0x99: {  	[spmem:s2] =	stream.linear.scatter @!p0 [tilespmem:s17], [sflag:$0xD], $0x100, $0x38;
	[tilespmem:$0x1FEF0] =	vst v63  }
0x9a: {  	_ =	swait.ge @!p0 [sflag:s10], $0x100  }
0x9b: {  	[sflag:s10] =	ssyncset.done @!p0 $0x0  }
0x9c: {  	[sflag:s10] =	ssyncadd.s32 @!p0 $0xFFFFFF00  }
0x9d: {  	_ =	swait.ge [sflag:s21], $0x60  }
0x9e: {  	[sflag:s21] =	ssyncset.done $0x0  }
0x9f: {  	[sflag:s21] =	ssyncadd.s32 $0xFFFFFFA0  }
0xa0: {  	[tilespmem:s18], [sflag:$0x1] =	stream.indirect.gather [hbm4b:s25+s22], $0x80, s15, s22, $0xb8;
	[tilespmem:$0x1FEF0] =	vst v63  }
0xa1: {  	_ =	swait.ge [sflag:s23], $0x60  }
0xa2: {  	[sflag:s23] =	ssyncset.done $0x0  }
0xa3: {  	[sflag:s23] =	ssyncadd.s32 $0xFFFFFFA0  }
0xa4: {  	[tilespmem:s24], [sflag:$0x2] =	stream.indirect.gather [hbm4b:s25+s22], $0x80, s16, s22, $0xb8;
	[tilespmem:$0x1FEF0] =	vst v63  }
0xa5: {  	[bflag:$0x0] =	sbarrier.arrive $0xFFFF  }
0xa6: {  	s2 =	rddreg [dreg:$0xb]  }
0xa7: {  	s10 =	sadd.s32 $0x0, s2  }
0xa8: {  	[tilespmem:s14], [sflag:$0xC] =	stream.linear.gather [hbm4b:s10+s5], $0x60, $0x38;
	[tilespmem:$0x1FEF0] =	vst v63  }
0xa9: {  	_ =	swait.ge [sflag:s26], $0x60  }
0xaa: {  	[sflag:s26] =	ssyncset.done $0x0  }
0xab: {  	[sflag:s26] =	ssyncadd.s32 $0xFFFFFFA0  }
0xac: {  	_ =	swait.ge [sflag:s29], $0x60  }
0xad: {  	[sflag:s29] =	ssyncset.done $0x0  }
0xae: {  	[sflag:s29] =	ssyncadd.s32 $0xFFFFFFA0  }
0xaf: {  	[tilespmem:s0], [sflag:$0x3] =	stream.indirect.gather [hbm4b:s25+s22], $0x80, s13, s22, $0xb8;
	[tilespmem:$0x1FEF0] =	vst v63  }
0xb0: {  	_ =	swait.ge [sflag:s31], $0x3000  }
0xb1: {  	s13 =	sld [smem:$0x7F5];
	_ =	sdelay $0x2  }
0xb2: {  	[sflag:s31] =	ssyncset.done $0x0;
	s14 =	sshrl.u32 s13, $0x3  }
0xb3: {  	[sflag:s31] =	ssyncadd.s32 $0xFFFFD000;
	s10 =	sadd.s32 s28, s14  }
0xb4: {  	[tilespmem:s15], [sflag:$0x4] =	stream.linear.gather [hbm4b:s10+s5], $0x60, $0x38;
	[tilespmem:$0x1FEF0] =	vst v63  }
0xb5: {  	_ = 	snop  }
0xb6: {  	[spmem:s3] =	stream.indirect.scatter.add.f32 [tilespmem:s18], [sflag:$0xD], $0x80, s8, s22, $0xb8;
	[tilespmem:$0x1FEF0] =	vst v63  }
0xb7: {  	_ =	swait.ge [sflag:s19], $0x3000  }
0xb8: {  	p1 =	por $0x1, $0x1;
	[sflag:s19] =	ssyncset.done $0x0  }
0xb9: {  	s10 =	simm.s32 @!p1 $0x7;
	[sflag:s19] =	ssyncadd.s32 $0xFFFFD000  }
0xba: {  	_ =	swait.ge @!p1 [sflag:s10], $0x600  }
0xbb: {  	[sflag:s10] =	ssyncset.done @!p1 $0x0  }
0xbc: {  	[sflag:s10] =	ssyncadd.s32 @!p1 $0xFFFFFA00  }
0xbd: {  	v2 =	vld [tilespmem:$0x1F100]  }
0xbe: {  	v3 =	vld [tilespmem:$0x1F0F0]  }
0xbf: {  	v4 =	vld [tilespmem:$0x1F0E0]  }
0xc0: {  	v5 =	vld [tilespmem:$0x1F0D0]  }
0xc1: {  	v6 =	vld [tilespmem:$0x1F0B0]  }
0xc2: {  	v7 =	vld [tilespmem:$0x1F0C0];
	[tilespmem:$0x1F220] =	vst v2  }
0xc3: {  	[tilespmem:$0x1F210] =	vst v3  }
0xc4: {  	[tilespmem:$0x1F200] =	vst v4  }
0xc5: {  	[tilespmem:$0x1F1F0] =	vst v5  }
0xc6: {  	[tilespmem:$0x1F1D0] =	vst v6  }
0xc7: {  	s17 =	rddreg [dreg:$0xa];
	[tilespmem:$0x1F1E0] =	vst v7  }
0xc8: {  	[spmem:s4] =	stream.indirect.scatter.add.f32 [tilespmem:s11], [sflag:$0x7], $0x10, s30, s22, $0xb8;
	[tilespmem:$0x1FEF0] =	vst v63  }
0xc9: {  	s10 =	sadd.s32 $0x0, s17  }
0xca: {  	[tilespmem:s8], [sflag:$0xA] =	stream.linear.gather [hbm4b:s10+s5], $0x60, $0x38;
	[tilespmem:$0x1FEF0] =	vst v63  }
0xcb: {  	_ =	swait.ge [sflag:s12], $0x60  }
0xcc: {  	[sflag:s12] =	ssyncset.done $0x0  }
0xcd: {  	[sflag:s12] =	ssyncadd.s32 $0xFFFFFFA0  }
0xce: {  	_ =	swait.ge [sflag:s21], $0x60  }
0xcf: {  	[sflag:s21] =	ssyncset.done $0x0  }
0xd0: {  	[sflag:s21] =	ssyncadd.s32 $0xFFFFFFA0  }
0xd1: {  	[tilespmem:s18], [sflag:$0x1] =	stream.indirect.gather [hbm4b:s25+s22], $0x80, s15, s22, $0xb8;
	[tilespmem:$0x1FEF0] =	vst v63  }
0xd2: {  	_ =	swait.ge [sflag:s7], $0x3000  }
0xd3: {  	s20 =	rddreg [dreg:$0x8];
	[sflag:s7] =	ssyncset.done $0x0  }
0xd4: {  	[sflag:s7] =	ssyncadd.s32 $0xFFFFD000;
	s10 =	sadd.s32 $0x0, s20  }
0xd5: {  	[tilespmem:s16], [sflag:$0x5] =	stream.linear.gather [hbm4b:s10+s5], $0x60, $0x38;
	[tilespmem:$0x1FEF0] =	vst v63  }
0xd6: {  	_ = 	snop  }
0xd7: {  	[spmem:s3] =	stream.indirect.scatter.add.f32 [tilespmem:s24], [sflag:$0xD], $0x80, s6, s22, $0xb8;
	[tilespmem:$0x1FEF0] =	vst v63  }
0xd8: {  	_ =	swait.ge [sflag:s19], $0x3000  }
0xd9: {  	[sflag:s19] =	ssyncset.done $0x0  }
0xda: {  	s10 =	simm.s32 @!p1 $0x8;
	[sflag:s19] =	ssyncadd.s32 $0xFFFFD000  }
0xdb: {  	_ =	swait.ge @!p1 [sflag:s10], $0x600  }
0xdc: {  	[sflag:s10] =	ssyncset.done @!p1 $0x0  }
0xdd: {  	s0 =	simm.s32 $0x1BF90;
	[sflag:s10] =	ssyncadd.s32 @!p1 $0xFFFFFA00  }
0xde: {  	s14 =	smov.u32 s28;
	s28 =	smov.u32 s13;
	s30 =	simm.s32 $0x1F170;
	v3 =	vld [tilespmem:$0x1F110]  }
0xdf: {  	s15 =	simm.s32 $0x18F90;
	s18 =	simm.s32 $0x1EFF0;
	s20 =	simm.s32 $0x24;
	v2 =	vld [tilespmem:$0x1F120]  }
0xe0: {  	s16 =	simm.s32 $0x1EF90;
	s24 =	simm.s32 $0x15F90;
	s10 =	simm.s32 $0x0;
	v4 =	vld [tilespmem:$0x1F160]  }
.LBB2_6:
0xe1: {  	v5 =	vld [tilespmem:$0x1F150]  }
0xe2: {  	v6 =	vld [tilespmem:$0x1F140]  }
0xe3: {  	[tilespmem:$0x1F230] =	vst v3;
	v3 =	vld [tilespmem:$0x1F130]  }
0xe4: {  	[tilespmem:$0x1F240] =	vst v2  }
0xe5: {  	[tilespmem:$0x1F280] =	vst v4  }
0xe6: {  	[tilespmem:$0x1F270] =	vst v5  }
0xe7: {  	[tilespmem:$0x1F260] =	vst v6  }
0xe8: {  	s8 =	rddreg [dreg:$0x9];
	s13 =	simm.s32 $0x1F230;
	[tilespmem:$0x1F250] =	vst v3  }
0xe9: {  	[spmem:s4] =	stream.indirect.scatter.add.f32 [tilespmem:s11], [sflag:$0x8], $0x10, s13, s22, $0xb8;
	[tilespmem:$0x1FEF0] =	vst v63  }
0xea: {  	s8 =	sadd.s32 s10, s8  }
0xeb: {  	[tilespmem:s6], [sflag:$0xB] =	stream.linear.gather [hbm4b:s8+s5], $0x60, $0x38;
	[tilespmem:$0x1FEF0] =	vst v63  }
0xec: {  	_ =	swait.ge [sflag:s9], $0x60  }
0xed: {  	[sflag:s9] =	ssyncset.done $0x0  }
0xee: {  	[sflag:s9] =	ssyncadd.s32 $0xFFFFFFA0  }
0xef: {  	_ =	swait.ge [sflag:s23], $0x60  }
0xf0: {  	[sflag:s23] =	ssyncset.done $0x0  }
0xf1: {  	[sflag:s23] =	ssyncadd.s32 $0xFFFFFFA0  }
0xf2: {  	[tilespmem:s15], [sflag:$0x2] =	stream.indirect.gather [hbm4b:s25+s22], $0x80, s18, s22, $0xb8;
	[tilespmem:$0x1FEF0] =	vst v63  }
0xf3: {  	p3 =	seq.s32 s10, $0x4A4;
	_ =	swait.ge [sflag:s1], $0x3000  }
0xf4: {  	s13 =	simm.s32 @!p3 $0x1F050;
	s6 =	rddreg [dreg:$0x7];
	[sflag:s1] =	ssyncset.done $0x0  }
0xf5: {  	[sflag:s1] =	ssyncadd.s32 $0xFFFFD000;
	s6 =	sadd.s32 @!p3 s10, s6;
	s10 =	simm.s32 @!p3 $0x0  }
0xf6: {  	[tilespmem:s13], [sflag:$0x6] =	stream.linear.gather @!p3 [hbm4b:s6+s10], $0x60, $0x38;
	[tilespmem:$0x1FEF0] =	vst v63  }
0xf7: {  	_ = 	snop  }
0xf8: {  	[spmem:s3] =	stream.indirect.scatter.add.f32 [tilespmem:s0], [sflag:$0xD], $0x80, s30, s22, $0xb8;
	[tilespmem:$0x1FEF0] =	vst v63  }
0xf9: {  	_ =	swait.ge [sflag:s19], $0x3000  }
0xfa: {  	[sflag:s19] =	ssyncset.done $0x0  }
0xfb: {  	s8 =	simm.s32 @!p1 $0x9;
	[sflag:s19] =	ssyncadd.s32 $0xFFFFD000  }
0xfc: {  	_ =	swait.ge @!p1 [sflag:s8], $0x600  }
0xfd: {  	[sflag:s8] =	ssyncset.done @!p1 $0x0  }
0xfe: {  	[sflag:s8] =	ssyncadd.s32 @!p1 $0xFFFFFA00  }
0xff: {  	v2 =	vld [tilespmem:$0x1F170]  }
0x100: {  	v3 =	vld [tilespmem:$0x1F180]  }
0x101: {  	v4 =	vld [tilespmem:$0x1F190]  }
0x102: {  	v5 =	vld [tilespmem:$0x1F1A0]  }
0x103: {  	v6 =	vld [tilespmem:$0x1F1B0]  }
0x104: {  	[tilespmem:$0x1F290] =	vst v2;
	v2 =	vld [tilespmem:$0x1F1C0]  }
0x105: {  	[tilespmem:$0x1F2A0] =	vst v3  }
0x106: {  	[tilespmem:$0x1F2B0] =	vst v4  }
0x107: {  	s2 =	smov.u32 s20;
	[tilespmem:$0x1F2C0] =	vst v5  }
0x108: {  	s10 =	smov.u32 s2;
	s2 =	rddreg [dreg:$0xb];
	[tilespmem:$0x1F2D0] =	vst v6  }
0x109: {  	s8 =	rddreg [dreg:$0xc];
	[tilespmem:$0x1F2E0] =	vst v2  }
0x10a: {  	[spmem:s4] =	stream.indirect.scatter.add.f32 [tilespmem:s11], [sflag:$0x9], $0x10, s8, s22, $0xb8;
	[tilespmem:$0x1FEF0] =	vst v63  }
0x10b: {  	s2 =	sadd.s32 s10, s2  }
0x10c: {  	[tilespmem:s30], [sflag:$0xC] =	stream.linear.gather [hbm4b:s2+s5], $0x60, $0x38;
	[tilespmem:$0x1FEF0] =	vst v63  }
0x10d: {  	_ =	swait.ge [sflag:s26], $0x60  }
0x10e: {  	[sflag:s26] =	ssyncset.done $0x0  }
0x10f: {  	[sflag:s26] =	ssyncadd.s32 $0xFFFFFFA0  }
0x110: {  	_ =	swait.ge [sflag:s29], $0x60  }
0x111: {  	[sflag:s29] =	ssyncset.done $0x0  }
0x112: {  	s6 =	simm.s32 $0x1F050;
	[sflag:s29] =	ssyncadd.s32 $0xFFFFFFA0  }
0x113: {  	[tilespmem:s0], [sflag:$0x3] =	stream.indirect.gather [hbm4b:s25+s22], $0x80, s6, s22, $0xb8;
	[tilespmem:$0x1FEF0] =	vst v63  }
0x114: {  	s28 =	sadd.s32 $0x120, s28;
	_ =	swait.ge [sflag:s31], $0x3000  }
0x115: {  	s17 =	sshrl.u32 s28, $0x3;
	[sflag:s31] =	ssyncset.done $0x0  }
0x116: {  	s8 =	sadd.s32 s14, s17;
	[sflag:s31] =	ssyncadd.s32 $0xFFFFD000  }
0x117: {  	[tilespmem:s16], [sflag:$0x4] =	stream.linear.gather [hbm4b:s8+s5], $0x60, $0x38;
	[tilespmem:$0x1FEF0] =	vst v63  }
0x118: {  	s13 =	simm.s32 $0x1F0B0  }
0x119: {  	[spmem:s3] =	stream.indirect.scatter.add.f32 [tilespmem:s24], [sflag:$0xD], $0x80, s13, s22, $0xb8;
	[tilespmem:$0x1FEF0] =	vst v63  }
0x11a: {  	_ =	swait.ge [sflag:s19], $0x3000  }
0x11b: {  	p1 =	seq.s32 s10, $0x0;
	[sflag:s19] =	ssyncset.done $0x0  }
0x11c: {  	s2 =	simm.s32 @!p1 $0x7;
	[sflag:s19] =	ssyncadd.s32 $0xFFFFD000  }
0x11d: {  	_ =	swait.ge @!p1 [sflag:s2], $0x600  }
0x11e: {  	[sflag:s2] =	ssyncset.done @!p1 $0x0  }
0x11f: {  	[sflag:s2] =	ssyncadd.s32 @!p1 $0xFFFFFA00  }
0x120: {  	v2 =	vld [tilespmem:$0x1F100]  }
0x121: {  	v3 =	vld [tilespmem:$0x1F0F0]  }
0x122: {  	v4 =	vld [tilespmem:$0x1F0E0]  }
0x123: {  	v5 =	vld [tilespmem:$0x1F0D0]  }
0x124: {  	v6 =	vld [tilespmem:$0x1F0B0]  }
0x125: {  	v7 =	vld [tilespmem:$0x1F0C0];
	[tilespmem:$0x1F220] =	vst v2  }
0x126: {  	[tilespmem:$0x1F210] =	vst v3  }
0x127: {  	[tilespmem:$0x1F200] =	vst v4  }
0x128: {  	[tilespmem:$0x1F1F0] =	vst v5  }
0x129: {  	[tilespmem:$0x1F1D0] =	vst v6  }
0x12a: {  	s8 =	simm.s32 $0x1F1D0;
	s17 =	rddreg [dreg:$0xa];
	[tilespmem:$0x1F1E0] =	vst v7  }
0x12b: {  	[spmem:s4] =	stream.indirect.scatter.add.f32 [tilespmem:s11], [sflag:$0x7], $0x10, s8, s22, $0xb8;
	[tilespmem:$0x1FEF0] =	vst v63  }
0x12c: {  	s2 =	sadd.s32 s10, s17  }
0x12d: {  	[tilespmem:s13], [sflag:$0xA] =	stream.linear.gather [hbm4b:s2+s5], $0x60, $0x38;
	[tilespmem:$0x1FEF0] =	vst v63  }
0x12e: {  	_ =	swait.ge [sflag:s12], $0x60  }
0x12f: {  	[sflag:s12] =	ssyncset.done $0x0  }
0x130: {  	[sflag:s12] =	ssyncadd.s32 $0xFFFFFFA0  }
0x131: {  	_ =	swait.ge [sflag:s21], $0x60  }
0x132: {  	[sflag:s21] =	ssyncset.done $0x0  }
0x133: {  	[sflag:s21] =	ssyncadd.s32 $0xFFFFFFA0  }
0x134: {  	[tilespmem:s24], [sflag:$0x1] =	stream.indirect.gather [hbm4b:s25+s22], $0x80, s16, s22, $0xb8;
	[tilespmem:$0x1FEF0] =	vst v63  }
0x135: {  	_ =	swait.ge [sflag:s7], $0x3000  }
0x136: {  	s17 =	rddreg [dreg:$0x8];
	[sflag:s7] =	ssyncset.done $0x0  }
0x137: {  	[sflag:s7] =	ssyncadd.s32 $0xFFFFD000;
	s6 =	sadd.s32 s10, s17  }
0x138: {  	[tilespmem:s18], [sflag:$0x5] =	stream.linear.gather [hbm4b:s6+s5], $0x60, $0x38;
	[tilespmem:$0x1FEF0] =	vst v63  }
0x139: {  	s6 =	simm.s32 $0x1F110  }
0x13a: {  	[spmem:s3] =	stream.indirect.scatter.add.f32 [tilespmem:s15], [sflag:$0xD], $0x80, s6, s22, $0xb8;
	[tilespmem:$0x1FEF0] =	vst v63  }
0x13b: {  	_ =	swait.ge [sflag:s19], $0x3000  }
0x13c: {  	[sflag:s19] =	ssyncset.done $0x0  }
0x13d: {  	s20 =	sadd.s32 $0x24, s20;
	s2 =	simm.s32 @!p1 $0x8;
	[sflag:s19] =	ssyncadd.s32 $0xFFFFD000  }
0x13e: {  	p2 =	sne.s32 s20, $0x4C8;
	_ =	swait.ge @!p1 [sflag:s2], $0x600  }
.Ltmp2:
0x13f: {  	[sflag:s2] =	ssyncset.done @!p1 $0x0;
	(pc) =	sbr.rel @p2 .LBB2_6-.Ltmp2, $4  }
0x140: {  	[sflag:s2] =	ssyncadd.s32 @!p1 $0xFFFFFA00  }
0x141: {  	v3 =	vld [tilespmem:$0x1F110]  }
0x142: {  	v2 =	vld [tilespmem:$0x1F120]  }
0x143: {  	v4 =	vld [tilespmem:$0x1F160]  }
0x144: {  	v5 =	vld [tilespmem:$0x1F150]  }
0x145: {  	v6 =	vld [tilespmem:$0x1F140]  }
0x146: {  	[tilespmem:$0x1F230] =	vst v3;
	v3 =	vld [tilespmem:$0x1F130]  }
0x147: {  	[tilespmem:$0x1F240] =	vst v2  }
0x148: {  	[tilespmem:$0x1F280] =	vst v4  }
0x149: {  	[tilespmem:$0x1F270] =	vst v5  }
0x14a: {  	[tilespmem:$0x1F260] =	vst v6  }
0x14b: {  	s2 =	rddreg [dreg:$0x9];
	s17 =	simm.s32 $0x1F230;
	[tilespmem:$0x1F250] =	vst v3  }
0x14c: {  	[spmem:s4] =	stream.indirect.scatter.add.f32 [tilespmem:s11], [sflag:$0x8], $0x10, s17, s22, $0xb8;
	[tilespmem:$0x1FEF0] =	vst v63  }
0x14d: {  	s2 =	sadd.s32 s10, s2  }
0x14e: {  	[tilespmem:s6], [sflag:$0xB] =	stream.linear.gather [hbm4b:s2+s5], $0x60, $0x38;
	[tilespmem:$0x1FEF0] =	vst v63  }
0x14f: {  	_ =	swait.ge [sflag:s9], $0x60  }
0x150: {  	[sflag:s9] =	ssyncset.done $0x0  }
0x151: {  	[sflag:s9] =	ssyncadd.s32 $0xFFFFFFA0  }
0x152: {  	_ =	swait.ge [sflag:s23], $0x60  }
0x153: {  	[sflag:s23] =	ssyncset.done $0x0  }
0x154: {  	[sflag:s23] =	ssyncadd.s32 $0xFFFFFFA0  }
0x155: {  	[tilespmem:s15], [sflag:$0x2] =	stream.indirect.gather [hbm4b:s25+s22], $0x80, s18, s22, $0xb8;
	[tilespmem:$0x1FEF0] =	vst v63  }
0x156: {  	p2 =	seq.s32 s10, $0x4A4;
	_ =	swait.ge [sflag:s1], $0x3000  }
0x157: {  	s8 =	simm.s32 @!p2 $0x0;
	s2 =	rddreg [dreg:$0x7];
	[sflag:s1] =	ssyncset.done $0x0  }
0x158: {  	s6 =	simm.s32 @!p2 $0x1F050;
	[sflag:s1] =	ssyncadd.s32 $0xFFFFD000;
	s2 =	sadd.s32 @!p2 s10, s2  }
0x159: {  	[tilespmem:s6], [sflag:$0x6] =	stream.linear.gather @!p2 [hbm4b:s2+s8], $0x60, $0x38;
	[tilespmem:$0x1FEF0] =	vst v63  }
0x15a: {  	_ = 	snop  }
0x15b: {  	[spmem:s3] =	stream.indirect.scatter.add.f32 [tilespmem:s0], [sflag:$0xD], $0x80, s30, s22, $0xb8;
	[tilespmem:$0x1FEF0] =	vst v63  }
0x15c: {  	_ =	swait.ge [sflag:s19], $0x3000  }
0x15d: {  	[sflag:s19] =	ssyncset.done $0x0  }
0x15e: {  	s2 =	simm.s32 @!p1 $0x9;
	[sflag:s19] =	ssyncadd.s32 $0xFFFFD000  }
0x15f: {  	_ =	swait.ge @!p1 [sflag:s2], $0x600  }
0x160: {  	[sflag:s2] =	ssyncset.done @!p1 $0x0  }
0x161: {  	[sflag:s2] =	ssyncadd.s32 @!p1 $0xFFFFFA00  }
0x162: {  	v2 =	vld [tilespmem:$0x1F170]  }
0x163: {  	v3 =	vld [tilespmem:$0x1F180]  }
0x164: {  	v55 =	vld [tilespmem:$0x1F190]  }
0x165: {  	v56 =	vld [tilespmem:$0x1F1A0]  }
0x166: {  	v57 =	vld [tilespmem:$0x1F1B0]  }
0x167: {  	[tilespmem:$0x1F290] =	vst v2;
	v2 =	vld [tilespmem:$0x1F1C0]  }
0x168: {  	[tilespmem:$0x1F2A0] =	vst v3  }
0x169: {  	[tilespmem:$0x1F2B0] =	vst v55  }
0x16a: {  	[tilespmem:$0x1F2C0] =	vst v56  }
0x16b: {  	[tilespmem:$0x1F2D0] =	vst v57  }
0x16c: {  	s10 =	rddreg [dreg:$0xc];
	[tilespmem:$0x1F2E0] =	vst v2  }
0x16d: {  	[spmem:s4] =	stream.indirect.scatter.add.f32 [tilespmem:s11], [sflag:$0x9], $0x10, s10, s22, $0xb8;
	[tilespmem:$0x1FEF0] =	vst v63  }
0x16e: {  	_ =	swait.ge [sflag:s26], $0x60  }
0x16f: {  	[sflag:s26] =	ssyncset.done $0x0  }
0x170: {  	[sflag:s26] =	ssyncadd.s32 $0xFFFFFFA0  }
0x171: {  	_ =	swait.ge [sflag:s31], $0x3000  }
0x172: {  	[sflag:s31] =	ssyncset.done $0x0  }
0x173: {  	[sflag:s31] =	ssyncadd.s32 $0xFFFFD000  }
0x174: {  	[spmem:s3] =	stream.indirect.scatter.add.f32 [tilespmem:s24], [sflag:$0xD], $0x80, s13, s22, $0xb8;
	[tilespmem:$0x1FEF0] =	vst v63  }
0x175: {  	_ =	swait.ge [sflag:s19], $0x3000  }
0x176: {  	[sflag:s19] =	ssyncset.done $0x0  }
0x177: {  	s18 =	simm.s32 $0x7;
	[sflag:s19] =	ssyncadd.s32 $0xFFFFD000  }
0x178: {  	_ =	swait.ge [sflag:s18], $0x600  }
0x179: {  	[sflag:s18] =	ssyncset.done $0x0  }
0x17a: {  	[sflag:s18] =	ssyncadd.s32 $0xFFFFFA00  }
0x17b: {  	v2 =	vld [tilespmem:$0x1F0B0]  }
0x17c: {  	v3 =	vld [tilespmem:$0x1F0C0]  }
0x17d: {  	v58 =	vld [tilespmem:$0x1F0D0]  }
0x17e: {  	v59 =	vld [tilespmem:$0x1F0E0]  }
0x17f: {  	v60 =	vld [tilespmem:$0x1F0F0]  }
0x180: {  	[tilespmem:$0x1F1D0] =	vst v2;
	v2 =	vld [tilespmem:$0x1F100]  }
0x181: {  	[tilespmem:$0x1F1E0] =	vst v3  }
0x182: {  	[tilespmem:$0x1F1F0] =	vst v58  }
0x183: {  	[tilespmem:$0x1F200] =	vst v59  }
0x184: {  	[tilespmem:$0x1F210] =	vst v60  }
0x185: {  	s20 =	simm.s32 $0x1F1D0;
	[tilespmem:$0x1F220] =	vst v2  }
0x186: {  	[spmem:s4] =	stream.indirect.scatter.add.f32 [tilespmem:s11], [sflag:$0x7], $0x10, s20, s22, $0xb8;
	[tilespmem:$0x1FEF0] =	vst v63  }
0x187: {  	_ =	swait.ge [sflag:s12], $0x60  }
0x188: {  	[sflag:s12] =	ssyncset.done $0x0  }
0x189: {  	[sflag:s12] =	ssyncadd.s32 $0xFFFFFFA0  }
0x18a: {  	_ =	swait.ge [sflag:s7], $0x3000  }
0x18b: {  	[sflag:s7] =	ssyncset.done $0x0  }
0x18c: {  	s16 =	simm.s32 $0x1F110;
	[sflag:s7] =	ssyncadd.s32 $0xFFFFD000  }
0x18d: {  	[spmem:s3] =	stream.indirect.scatter.add.f32 [tilespmem:s15], [sflag:$0xD], $0x80, s16, s22, $0xb8;
	[tilespmem:$0x1FEF0] =	vst v63  }
0x18e: {  	_ =	swait.ge [sflag:s19], $0x3000  }
0x18f: {  	[sflag:s19] =	ssyncset.done $0x0  }
0x190: {  	s24 =	simm.s32 $0x8;
	[sflag:s19] =	ssyncadd.s32 $0xFFFFD000  }
0x191: {  	_ =	swait.ge [sflag:s24], $0x600  }
0x192: {  	[sflag:s24] =	ssyncset.done $0x0  }
0x193: {  	[sflag:s24] =	ssyncadd.s32 $0xFFFFFA00  }
0x194: {  	v2 =	vld [tilespmem:$0x1F110]  }
0x195: {  	v3 =	vld [tilespmem:$0x1F120]  }
0x196: {  	v61 =	vld [tilespmem:$0x1F130]  }
0x197: {  	v62 =	vld [tilespmem:$0x1F140]  }
0x198: {  	v63 =	vld [tilespmem:$0x1F150]  }
0x199: {  	[tilespmem:$0x1F230] =	vst v2;
	v2 =	vld [tilespmem:$0x1F160]  }
0x19a: {  	[tilespmem:$0x1F240] =	vst v3  }
0x19b: {  	[tilespmem:$0x1F250] =	vst v61  }
0x19c: {  	[tilespmem:$0x1F260] =	vst v62  }
0x19d: {  	[tilespmem:$0x1F270] =	vst v63  }
0x19e: {  	s28 =	smov.u32 s14;
	s14 =	smov.u32 s25;
	s25 =	simm.s32 $0x9;
	[tilespmem:$0x1F280] =	vst v2  }
0x19f: {  	[spmem:s4] =	stream.indirect.scatter.add.f32 [tilespmem:s11], [sflag:$0x8], $0x10, s17, s22, $0xb8;
	[tilespmem:$0x1FEF0] =	vst v63  }
0x1a0: {  	_ =	swait.ge [sflag:s25], $0x600  }
0x1a1: {  	[sflag:s25] =	ssyncset.done $0x0  }
0x1a2: {  	[sflag:s25] =	ssyncadd.s32 $0xFFFFFA00  }
0x1a3: {  	_ =	swait.ge [sflag:s18], $0x600  }
0x1a4: {  	[sflag:s18] =	ssyncset.done $0x0  }
0x1a5: {  	[sflag:s18] =	ssyncadd.s32 $0xFFFFFA00  }
0x1a6: {  	_ =	swait.ge [sflag:s24], $0x600  }
0x1a7: {  	[sflag:s24] =	ssyncset.done $0x0  }
0x1a8: {  	s10 =	simm.s32 $0x16800;
	[sflag:s24] =	ssyncadd.s32 $0xFFFFFA00  }
0x1a9: {  	[tilespmem:s10+$0xFFFFFFA0] =	vst v0  }
0x1aa: {  	[tilespmem:s10+$0xFFFFFFB0] =	vst v0  }
0x1ab: {  	[tilespmem:s10+$0xFFFFFFC0] =	vst v0  }
0x1ac: {  	[tilespmem:s10+$0xFFFFFFD0] =	vst v0  }
0x1ad: {  	[tilespmem:s10+$0xFFFFFFE0] =	vst v0  }
0x1ae: {  	s0 =	simm.s32 $0x1BF90;
	[tilespmem:s10+$0xFFFFFFF0] =	vst v0  }
0x1af: {  	s30 =	simm.s32 $0x1F1D0;
	s20 =	simm.s32 $0x100;
	s16 =	simm.s32 $0x1EFF0;
	[tilespmem:s10+$0x0] =	vst v0  }
0x1b0: {  	s17 =	simm.s32 $0x440;
	s18 =	simm.s32 $0x15F90;
	s24 =	simm.s32 $0x18F90;
	[tilespmem:s10+$0xFFFFFF90] =	vst v0  }
.LBB2_8:
0x1b1: {  	p1 =	sne.s32 s17, $0x17C0;
	[tilespmem:s20+$0x1F2F0] =	vst v0;
	s10 =	sadd.s32 $0x80, s10  }
0x1b2: {  	[tilespmem:s10+$0xFFFFFFA0] =	vst v0  }
0x1b3: {  	[tilespmem:s10+$0xFFFFFFB0] =	vst v0  }
0x1b4: {  	[tilespmem:s10+$0xFFFFFFC0] =	vst v0  }
.Ltmp3:
0x1b5: {  	[tilespmem:s10+$0xFFFFFFD0] =	vst v0;
	(pc) =	sbr.rel @p1 .LBB2_8-.Ltmp3, $4  }
0x1b6: {  	[tilespmem:s10+$0xFFFFFFE0] =	vst v0  }
0x1b7: {  	[tilespmem:s10+$0xFFFFFFF0] =	vst v0  }
0x1b8: {  	[tilespmem:s10+$0x0] =	vst v0  }
0x1b9: {  	s20 =	sshra.s32 s17, $0x2;
	s17 =	sadd.s32 $0x40, s17;
	[tilespmem:s10+$0xFFFFFF90] =	vst v0  }
0x1ba: {  	s2 =	sld [smem:$0x7FC];
	_ =	sdelay $0x1  }
0x1bb: {  	[tilespmem:s20+$0x1F2F0] =	vst v0;
	s15 =	simm.s32 $0x1EF90  }
0x1bc: {  	[tilespmem:s15], [sflag:$0xD] =	stream.linear.gather [hbm4b:s2+s5], $0x10, $0x38;
	[tilespmem:$0x1FEF0] =	vst v63  }
0x1bd: {  	_ =	swait.ge [sflag:s19], $0x10  }
0x1be: {  	s6 =	sld [smem:$0x7FD]  }
0x1bf: {  	[sflag:s19] =	ssyncset.done $0x0  }
0x1c0: {  	[sflag:s19] =	ssyncadd.s32 $0xFFFFFFF0  }
0x1c1: {  	[tilespmem:s13], [sflag:$0xD] =	stream.linear.gather [hbm4b:s6+s5], $0x10, $0x38;
	[tilespmem:$0x1FEF0] =	vst v63  }
0x1c2: {  	_ =	swait.ge [sflag:s19], $0x10  }
0x1c3: {  	[sflag:s19] =	ssyncset.done $0x0  }
0x1c4: {  	[sflag:s19] =	ssyncadd.s32 $0xFFFFFFF0  }
0x1c5: {  	v2 =	vld [tilespmem:$0x1F0B0];
	_ =	sdelay $0x4  }
0x1c6: {  	s10 =	simm.s32 $0x10;
	[tilespmem:$0x1F1D0] =	vst v2  }
0x1c7: {  	[tilespmem:s18], [sflag:$0x1] =	stream.indirect.gather [hbm4b:s14+s10], $0x80, s15, s10, $0xb8;
	[tilespmem:$0x1FEF0] =	vst v63  }
0x1c8: {  	_ =	swait.ge [sflag:s31], $0x800  }
0x1c9: {  	[sflag:s31] =	ssyncset.done $0x0  }
0x1ca: {  	[sflag:s31] =	ssyncadd.s32 $0xFFFFF800  }
0x1cb: {  	[spmem:s3] =	stream.indirect.scatter.add.f32 [tilespmem:s18], [sflag:$0xD], $0x80, s30, s22, $0xb8;
	[tilespmem:$0x1FEF0] =	vst v63  }
0x1cc: {  	_ =	swait.ge [sflag:s19], $0x3000  }
0x1cd: {  	[sflag:s19] =	ssyncset.done $0x0  }
0x1ce: {  	[sflag:s19] =	ssyncadd.s32 $0xFFFFD000  }
0x1cf: {  	[spmem:s4] =	stream.indirect.scatter.add.f32 [tilespmem:s11], [sflag:$0xD], $0x10, s30, s22, $0xb8;
	[tilespmem:$0x1FEF0] =	vst v63  }
0x1d0: {  	_ =	swait.ge [sflag:s19], $0x600  }
0x1d1: {  	[sflag:s19] =	ssyncset.done $0x0  }
0x1d2: {  	[sflag:s19] =	ssyncadd.s32 $0xFFFFFA00  }
0x1d3: {  	s8 =	stileid.u32;
	[bflag:$0x0] =	sbarrier.arrive $0xFFFF  }
0x1d4: {  	s2 =	sshll.u32 s8, $0x6;
	s6 =	rddreg [dreg:$0xe]  }
0x1d5: {  	s2 =	sor.u32 $0x1C0D, s2;
	s8 =	rddreg [dreg:$0x16];
	s6 =	sshrl.u32 s6, $0x3  }
0x1d6: {  	[hbm:s8], [sflag:s2] =	dma.local [spmem:s6], $0x2700  }
0x1d7: {  	_ =	swait.ge [sflag:s19], $0x2700  }
0x1d8: {  	s25 =	smov.u32 s14;
	[sflag:s19] =	ssyncset.done $0x0;
	s13 =	rddreg [dreg:$0xf]  }
0x1d9: {  	s14 =	rddreg [dreg:$0x17];
	[sflag:s19] =	ssyncadd.s32 $0xFFFFD900;
	s6 =	sshrl.u32 s13, $0x3  }
0x1da: {  	[hbm:s14@s10], [sflag:s2] =	dma.strided [spmem:s6@s7], $0x4E0, s31, $0x2   }
0x1db: {  	_ =	swait.ge [sflag:s19], $0x4E0  }
0x1dc: {  	s6 =	sld [smem:$0x7FA];
	_ =	sdelay $0x1  }
0x1dd: {  	[sflag:s19] =	ssyncset.done $0x0  }
0x1de: {  	s8 =	rddreg [dreg:$0x18];
	[sflag:s19] =	ssyncadd.s32 $0xFFFFFB20;
	s6 =	sshrl.u32 @!p0 s6, $0x3  }
0x1df: {  	[hbm:s8], [sflag:s2] =	dma.local @!p0 [spmem:s6], $0x100  }
0x1e0: {  	s6 =	simm.s32 @!p0 $0xD  }
0x1e1: {  	_ =	swait.ge @!p0 [sflag:s6], $0x100  }
0x1e2: {  	s8 =	sld [smem:$0x7FB]  }
0x1e3: {  	s17 =	simm.s32 @!p0 $0x2  }
0x1e4: {  	s13 =	simm.s32 @!p0 $0x10;
	s10 =	simm.s32 @!p0 $0x1;
	[sflag:s6] =	ssyncset.done @!p0 $0x0  }
0x1e5: {  	s14 =	rddreg [dreg:$0x19];
	[sflag:s6] =	ssyncadd.s32 @!p0 $0xFFFFFF00;
	s8 =	sshrl.u32 @!p0 s8, $0x3  }
0x1e6: {  	[hbm:s14@s13], [sflag:s2] =	dma.strided @!p0 [spmem:s8@s17], $0x20, s10, $0x2   }
0x1e7: {  	_ =	swait.ge @!p0 [sflag:s6], $0x20  }
0x1e8: {  	s17 =	sld [smem:$0x7F3]  }
0x1e9: {  	s20 =	sld [smem:$0x7F4];
	_ =	sdelay $0x1  }
0x1ea: {  	s10 =	sadd.s32 $0x1, s17  }
0x1eb: {  	p1 =	sne.s32 s10, s20  }
.Ltmp4:
0x1ec: {  	_ = 	snop;
	(pc) =	sbr.rel @p1 .LBB2_1-.Ltmp4, $3  }
0x1ed: {  	_ =	sdelay $0x1  }
0x1ee: {  	s8 =	simm.s32 $0x1F0B0;
	s13 =	simm.s32 $0x1F050;
	[sflag:s6] =	ssyncset.done @!p0 $0x0  }
0x1ef: {  	s14 =	simm.s32 $0x1F170;
	[sflag:s6] =	ssyncadd.s32 @!p0 $0xFFFFFFE0;
	s6 =	simm.s32 $0x1F110  }
0x1f0: {  	_ =	sfence.sel $0x180000  }
0x1f1: {  	[bflag:$0x0] =	sbarrier.arrive $0xFFFF  }
0x1f2: {  	_ =	strace $0x90000047  }
0x1f3: {  	s0 =	stileid.u32;
	[bflag:$0x2] =	sbarrier.arrive $0xFFFF  }
0x1f4: {  	p0 =	sne.s32 s0, $0x0;
	s0 =	rddreg [dreg:$0x6]  }
0x1f5: {  	s0 =	sadd.s32 @!p0 $0x100000, s0  }
0x1f6: {  	[sflag:s0] =	ssyncadd.tile.s32 @!p0 $0x1;
	_ =	shalt  }
.Lfunc_end2:
_tile_overlayer_lowered:
.L_overlay_start_2:
0x1f7: {  	(tag) =	ssettag $0x2  }
0x1f8: {  	s0 =	rddreg [dreg:$0x0];
	s2 =	stileid.u32  }
0x1f9: {  	s1 =	rddreg [dreg:$0x1];
	p0 =	sne.s32 s2, $0x0  }
0x1fa: {  	s3 =	rddreg [dreg:$0x2];
	[bflag:$0x3] =	sbarrier.arrive $0xFFFF;
	s2 =	simm.s32 @!p0 $0x1C0D  }
0x1fb: {  	[timem:s3], [sflag:s2] =	dma.local @!p0 [hbm:s0], s1  }
0x1fc: {  	s0 =	simm.s32 @!p0 $0xD  }
0x1fd: {  	_ =	swait.ge @!p0 [sflag:s0], s1  }
0x1fe: {  	s1 =	ssub.s32 @!p0 $0x0, s1;
	[sflag:s0] =	ssyncset.done @!p0 $0x0  }
0x1ff: {  	[sflag:s0] =	ssyncadd.s32 @!p0 s1  }
0x200: {  	[bflag:$0x3] =	sbarrier.arrive $0xFFFF  }
0x201: {  	_ =	shalt  }

</sc_bundles>
